<compile_context>
chip_gen: v7x
topology: tpu7x:2x2x1
jax: 0.10.2.dev20260603
libtpu: 0.0.44.dev20260713+nightly
codegen_flags: <defaults>
</compile_context>

<pallas_src>
import functools

import jax
import jax.numpy as jnp
from jax import lax
from jax.experimental import pallas as pl
from jax.experimental.pallas import tpu as pltpu
from jax.experimental.pallas import tpu_sc as plsc

B, T, F = 16, 576, 128
LATENT = 32
K = 8192
ENC1, ENC2 = 512, 256
DEC1, DEC2 = 512, 1024
BT = B * T
RC = 288
DKC = 2048
NC3 = 2048



_KA = 40


def _enc_vq_body(x_ref, w1_ref, b1_ref, w2_ref, b2_ref, w3_ref, b3_ref,
                 eps_ref, cb_ref, mean_ref, logvar_ref, ze_ref, idx_ref,
                 cbp_ref, cba_ref, za_ref):
    @pl.when(pl.program_id(0) == 0)
    def _build_cba():
        cb = cb_ref[...]
        cba_ref[:, :LATENT] = cb
        cba_ref[:, LATENT:LATENT + 1] = jnp.sum(cb * cb, axis=1, keepdims=True)
        cba_ref[:, LATENT + 1:] = jnp.zeros((K, _KA - LATENT - 1), jnp.float32)
        za_ref[:, LATENT:] = jnp.concatenate(
            [jnp.ones((RC, 1), jnp.float32),
             jnp.zeros((RC, _KA - LATENT - 1), jnp.float32)], axis=1)
        cbp_ref[:, :LATENT] = cb
        cbp_ref[:, LATENT:] = jnp.zeros((K, _GW - LATENT), jnp.float32)

    h = jnp.maximum(jnp.dot(x_ref[...].reshape(RC, F), w1_ref[...],
                            preferred_element_type=jnp.float32) + b1_ref[...], 0.0)
    h = jnp.maximum(jnp.dot(h, w2_ref[...],
                            preferred_element_type=jnp.float32) + b2_ref[...], 0.0)
    enc = jnp.dot(h, w3_ref[...], preferred_element_type=jnp.float32) + b3_ref[...]
    mean = enc[:, :LATENT]
    logvar = enc[:, LATENT:]
    z = mean + jnp.exp(0.5 * logvar) * eps_ref[...].reshape(RC, LATENT)
    mean_ref[...] = mean.reshape(1, RC, LATENT)
    logvar_ref[...] = logvar.reshape(1, RC, LATENT)
    ze_ref[...] = z.reshape(1, RC, LATENT)
    za_ref[:, :LATENT] = -2.0 * z
    dist = lax.dot_general(za_ref[...], cba_ref[...], (((1,), (1,)), ((), ())),
                           preferred_element_type=jnp.float32)
    min_val = jnp.min(dist, axis=1, keepdims=True)
    iota_f = lax.broadcasted_iota(jnp.int32, dist.shape, 1).astype(jnp.float32)
    idx_f = jnp.min(jnp.where(dist <= min_val, iota_f, jnp.float32(K)), axis=1)
    idx_ref[0, 0, :] = idx_f.astype(jnp.int32)


def _encode_vq(x, W1, b1, W2, b2, W3, b3, eps3, codebook):
    nprog = BT // RC
    per_b = T // RC
    return pl.pallas_call(
        _enc_vq_body,
        grid=(nprog,),
        in_specs=[
            pl.BlockSpec((1, RC, F), lambda i: (i // per_b, i % per_b, 0)),
            pl.BlockSpec((F, ENC1), lambda i: (0, 0)),
            pl.BlockSpec((1, ENC1), lambda i: (0, 0)),
            pl.BlockSpec((ENC1, ENC2), lambda i: (0, 0)),
            pl.BlockSpec((1, ENC2), lambda i: (0, 0)),
            pl.BlockSpec((ENC2, 2 * LATENT), lambda i: (0, 0)),
            pl.BlockSpec((1, 2 * LATENT), lambda i: (0, 0)),
            pl.BlockSpec((1, RC, LATENT), lambda i: (i // per_b, i % per_b, 0)),
            pl.BlockSpec((K, LATENT), lambda i: (0, 0)),
        ],
        out_specs=[
            pl.BlockSpec((1, RC, LATENT), lambda i: (i // per_b, i % per_b, 0)),
            pl.BlockSpec((1, RC, LATENT), lambda i: (i // per_b, i % per_b, 0)),
            pl.BlockSpec((1, RC, LATENT), lambda i: (i // per_b, i % per_b, 0)),
            pl.BlockSpec((1, 1, RC), lambda i: (i, 0, 0)),
            pl.BlockSpec((K, _GW), lambda i: (0, 0)),
        ],
        out_shape=[
            jax.ShapeDtypeStruct((B, T, LATENT), jnp.float32),
            jax.ShapeDtypeStruct((B, T, LATENT), jnp.float32),
            jax.ShapeDtypeStruct((B, T, LATENT), jnp.float32),
            jax.ShapeDtypeStruct((nprog, 1, RC), jnp.int32),
            jax.ShapeDtypeStruct((K, _GW), jnp.float32),
        ],
        scratch_shapes=[pltpu.VMEM((K, _KA), jnp.float32),
                        pltpu.VMEM((RC, _KA), jnp.float32)],
    )(x, W1, b1.reshape(1, -1), W2, b2.reshape(1, -1), W3,
      b3.reshape(1, -1), eps3, codebook)



_SC_NC, _SC_NS = 2, 16
_NW = _SC_NC * _SC_NS
_BPW = BT // _NW
_GCH = 96
_NCH = _BPW // _GCH


_GW = 128


def _zq_gather(codebook_pad, idx_flat):
    mesh = plsc.VectorSubcoreMesh(core_axis_name="c", subcore_axis_name="s")

    @functools.partial(
        pl.kernel, mesh=mesh,
        out_type=jax.ShapeDtypeStruct((BT, _GW), jnp.float32),
        scratch_types=[
            pltpu.VMEM((_BPW,), jnp.int32),
            pltpu.VMEM((_NCH, _GCH, _GW), jnp.float32),
            pltpu.SemaphoreType.DMA,
        ],
    )
    def gk(cb_hbm, idx_hbm, out_hbm, idx_v, rows_v, sem):
        wid = lax.axis_index("s") * _SC_NC + lax.axis_index("c")
        base = wid * _BPW
        pltpu.sync_copy(idx_hbm.at[pl.ds(base, _BPW)], idx_v)
        copies = [
            pltpu.async_copy(cb_hbm.at[idx_v.at[pl.ds(j * _GCH, _GCH)]],
                             rows_v.at[j], sem)
            for j in range(_NCH)
        ]
        for c in copies:
            c.wait()
        for j in range(_NCH):
            pltpu.sync_copy(rows_v.at[j],
                            out_hbm.at[pl.ds(base + j * _GCH, _GCH)])

    return gk(codebook_pad, idx_flat)



_TC1 = 64


def _dec1_body(zq_ref, ze_ref, d1_ref, db1_ref, d2_ref, db2_ref,
               h2_ref, loss_ref, acc_ref):
    k = pl.program_id(0)

    @pl.when(k == 0)
    def _init():
        acc_ref[...] = jnp.zeros_like(acc_ref)
        loss_ref[0, 0] = 0.0

    acc = jnp.zeros((B, DEC1), jnp.float32)
    sq = jnp.zeros((B, LATENT), jnp.float32)
    for j in range(_TC1):
        q = zq_ref[:, j, :LATENT]
        acc = acc + jnp.dot(q, d1_ref[pl.ds(j * LATENT, LATENT), :],
                            preferred_element_type=jnp.float32)
        dz = q - ze_ref[:, j, :]
        sq = sq + dz * dz
    acc_ref[...] += acc
    loss_ref[0, 0] += jnp.sum(sq)

    @pl.when(k == pl.num_programs(0) - 1)
    def _fin():
        h1 = jnp.maximum(acc_ref[...] + db1_ref[...], 0.0)
        h2_ref[...] = jnp.maximum(
            jnp.dot(h1, d2_ref[...], preferred_element_type=jnp.float32)
            + db2_ref[...], 0.0)


def _decode1(zq_pad3, ze3, D1, db1, D2, db2):
    nk = T // _TC1
    return pl.pallas_call(
        _dec1_body,
        grid=(nk,),
        in_specs=[
            pl.BlockSpec((B, _TC1, _GW), lambda k: (0, k, 0)),
            pl.BlockSpec((B, _TC1, LATENT), lambda k: (0, k, 0)),
            pl.BlockSpec((_TC1 * LATENT, DEC1), lambda k: (k, 0)),
            pl.BlockSpec((1, DEC1), lambda k: (0, 0)),
            pl.BlockSpec((DEC1, DEC2), lambda k: (0, 0)),
            pl.BlockSpec((1, DEC2), lambda k: (0, 0)),
        ],
        out_specs=[
            pl.BlockSpec((B, DEC2), lambda k: (0, 0)),
            pl.BlockSpec(memory_space=pltpu.SMEM),
        ],
        out_shape=[
            jax.ShapeDtypeStruct((B, DEC2), jnp.float32),
            jax.ShapeDtypeStruct((1, 1), jnp.float32),
        ],
        scratch_shapes=[pltpu.VMEM((B, DEC1), jnp.float32)],
    )(zq_pad3, ze3, D1, db1.reshape(1, -1), D2, db2.reshape(1, -1))



def _dec2_body(h2_ref, d3_ref, db3_ref, out_ref):
    y = jnp.dot(h2_ref[...], d3_ref[...],
                preferred_element_type=jnp.float32) + db3_ref[...]
    out_ref[...] = jnp.maximum(y, 0.0) + jnp.log(1.0 + jnp.exp(-jnp.abs(y)))


def _decode2(h2, D3, db3):
    nj = (T * F) // NC3
    return pl.pallas_call(
        _dec2_body,
        grid=(nj,),
        in_specs=[
            pl.BlockSpec((B, DEC2), lambda j: (0, 0)),
            pl.BlockSpec((DEC2, NC3), lambda j: (0, j)),
            pl.BlockSpec((1, NC3), lambda j: (0, j)),
        ],
        out_specs=pl.BlockSpec((B, NC3), lambda j: (0, j)),
        out_shape=jax.ShapeDtypeStruct((B, T * F), jnp.float32),
    )(h2, D3, db3.reshape(1, -1))


import numpy as np


def _np_threefry2x32(k1, k2, x1, x2):
    r1 = np.array([13, 15, 26, 6], np.uint32)
    r2 = np.array([17, 29, 16, 24], np.uint32)
    with np.errstate(over="ignore"):
        ks = [np.uint32(k1), np.uint32(k2),
              np.uint32(k1) ^ np.uint32(k2) ^ np.uint32(0x1BD11BDA)]
        x1 = (x1 + ks[0]).astype(np.uint32)
        x2 = (x2 + ks[1]).astype(np.uint32)
        for i in range(5):
            for r in (r1 if i % 2 == 0 else r2):
                x1 = (x1 + x2).astype(np.uint32)
                x2 = ((x2 << r) | (x2 >> np.uint32(32 - r))).astype(np.uint32)
                x2 = x2 ^ x1
            x1 = (x1 + ks[(i + 1) % 3]).astype(np.uint32)
            x2 = (x2 + ks[(i + 2) % 3] + np.uint32(i + 1)).astype(np.uint32)
    return x1, x2


def _np_random_bits_u32(seed, size):
    i = np.arange(size, dtype=np.uint64)
    c1 = (i >> np.uint64(32)).astype(np.uint32)
    c2 = (i & np.uint64(0xFFFFFFFF)).astype(np.uint32)
    x1, x2 = _np_threefry2x32(np.uint32(np.int64(seed) >> 32),
                              np.uint32(np.int64(seed) & 0xFFFFFFFF), c1, c2)
    return x1 ^ x2


_EPS_BITS = _np_random_bits_u32(42, BT * LATENT).reshape(BT, LATENT)


def _eps_from_bits(bits):
    fb = lax.shift_right_logical(bits, np.uint32(9))
    fb = lax.bitwise_or(fb, np.uint32(np.array(1.0, np.float32).view(np.uint32)))
    floats = lax.bitcast_convert_type(fb, jnp.float32) - np.float32(1.0)
    lo = np.nextafter(np.float32(-1.0), np.float32(0.0), dtype=np.float32)
    u = lax.max(lo, floats * (np.float32(1.0) - lo) + lo)
    return np.float32(np.sqrt(2)) * lax.erf_inv(u)


def kernel(x, W1, b1, W2, b2, W3, b3, codebook, D1, db1, D2, db2, D3, db3):
    eps3 = _eps_from_bits(jnp.asarray(_EPS_BITS)).reshape(B, T, LATENT)
    mean, logvar, ze, idx, cb_pad = _encode_vq(x, W1, b1, W2, b2, W3, b3,
                                               eps3, codebook)
    zq_pad = _zq_gather(cb_pad, idx.reshape(BT))
    h2, loss = _decode1(zq_pad.reshape(B, T, _GW), ze, D1, db1, D2, db2)
    rec = _decode2(h2, D3, db3).reshape(B, T, F)
    vq_loss = loss[0, 0] / jnp.float32(BT * LATENT)
    return rec, mean, logvar, vq_loss

# --- scband reference (transcript-rebuilt; emitter-appended) ---
"""Pipeline reference for scband-vqvariational-autoencoder-3504693314186 (READ-ONLY COPY).

The authoritative reference and input builder live on the scoring server;
editing this copy changes nothing except your own understanding.
"""

import jax, jax.numpy as jnp
import numpy as np

B, T, F = 16, 576, 128
LATENT = 32
K = 8192
ENC1, ENC2 = 512, 256
DEC1, DEC2 = 512, 1024

def _glorot(k, shape):
    scale = jnp.sqrt(2.0 / (shape[0] + shape[1]))
    return (jax.random.normal(k, shape, jnp.float32) * scale).astype(jnp.float32)

def setup_inputs(seed: int = 0) -> dict:
    key = jax.random.key(seed)
    ks = jax.random.split(key, 10)
    x = jax.random.normal(ks[0], (B, T, F), jnp.float32)
    W1 = _glorot(ks[1], (F, ENC1)); b1 = jnp.zeros((ENC1,), jnp.float32)
    W2 = _glorot(ks[2], (ENC1, ENC2)); b2 = jnp.zeros((ENC2,), jnp.float32)
    W3 = _glorot(ks[3], (ENC2, 2 * LATENT)); b3 = jnp.zeros((2 * LATENT,), jnp.float32)
    codebook = jax.random.uniform(ks[4], (K, LATENT), jnp.float32, -0.05, 0.05)
    D1 = _glorot(ks[5], (T * LATENT, DEC1)); db1 = jnp.zeros((DEC1,), jnp.float32)
    D2 = _glorot(ks[6], (DEC1, DEC2)); db2 = jnp.zeros((DEC2,), jnp.float32)
    D3 = _glorot(ks[7], (DEC2, T * F)); db3 = jnp.zeros((T * F,), jnp.float32)
    return {"x": x, "W1": W1, "b1": b1, "W2": W2, "b2": b2, "W3": W3, "b3": b3,
            "codebook": codebook, "D1": D1, "db1": db1, "D2": D2, "db2": db2, "D3": D3, "db3": db3}

def reference(x, W1, b1, W2, b2, W3, b3, codebook, D1, db1, D2, db2, D3, db3):
    # Encoder: TimeDistributed Dense stack = dense over last axis
    h = jax.nn.relu(x @ W1 + b1)
    h = jax.nn.relu(h @ W2 + b2)
    enc = h @ W3 + b3
    mean, log_var = jnp.split(enc, 2, axis=-1)
    # reparameterize (fixed key for determinism)
    eps = jax.random.normal(jax.random.key(42), mean.shape, jnp.float32)
    z_e = mean + jnp.exp(0.5 * log_var) * eps
    # VQ: squared-L2 nearest codebook entry. Expanded form of sum((z_e[...,None,:]-codebook)**2, -1)
    z_sq = jnp.sum(z_e ** 2, axis=-1, keepdims=True)            # [B,T,1]
    c_sq = jnp.sum(codebook ** 2, axis=-1)                       # [K]
    dots = jnp.einsum('btd,kd->btk', z_e, codebook)              # [B,T,K]
    distances = z_sq - 2.0 * dots + c_sq
    encoding_indices = jnp.argmin(distances, axis=-1)            # [B,T]
    z_q = jnp.take(codebook, encoding_indices, axis=0)           # [B,T,LATENT]
    z_q_st = z_e + jax.lax.stop_gradient(z_q - z_e)
    # Decoder on flattened quantized latents
    flat = z_q_st.reshape(z_q_st.shape[0], -1)                   # [B, T*LATENT]
    d = jax.nn.relu(flat @ D1 + db1)
    d = jax.nn.relu(d @ D2 + db2)
    reconstructed = jax.nn.softplus(d @ D3 + db3).reshape(-1, T, F)
    vq_loss = jnp.mean((jax.lax.stop_gradient(z_e) - z_q) ** 2)
    return reconstructed, mean, log_var, vq_loss

if __name__ == "__main__":
    import jax
    _d = setup_inputs()
    print(jax.jit(kernel)(*tuple(_d.values())))

</pallas_src>

<mosaic_0001>
#map = affine_map<(d0, d1) -> (0, 0)>
#map1 = affine_map<(d0, d1) -> (0)>
module attributes {stable_mosaic.version = 14 : i64} {
  func.func @gk(%arg0: i32, %arg1: i32, %arg2: memref<8192x128xf32, #tpu.memory_space<hbm>>, %arg3: memref<9216xi32, #tpu.memory_space<hbm>>, %arg4: memref<9216x128xf32, #tpu.memory_space<hbm>>, %arg5: memref<288xi32, #tpu.memory_space<vmem>>, %arg6: memref<3x96x128xf32, #tpu.memory_space<vmem>>, %arg7: memref<!tpu.dma_semaphore, #tpu.memory_space<semaphore_mem>>) attributes {dimension_semantics = [#tpu.dimension_semantics<core_parallel>, #tpu.dimension_semantics<subcore_parallel>], iteration_bounds = array<i64: 2, 16>, scalar_prefetch = 0 : i64, scratch_operands = 3 : i64, tpu.core_type = #tpu.core_type<sc_vector_subcore>, window_params = [{transform_indices = #map}, {transform_indices = #map1}, {transform_indices = #map}]} {
    %mul3A = arith.constant 2 : i32
    %mul3A_0 = arith.muli %arg1, %mul3A : i32
    %add3A = arith.addi %mul3A_0, %arg0 : i32
    %mul3A_1 = arith.constant 288 : i32
    %mul3A_2 = arith.muli %add3A, %mul3A_1 : i32
    "tpu.region"() ({
      %run_scoped3A_69 = tpu.sem_alloc : memref<!tpu.dma_semaphore, #tpu.memory_space<semaphore_mem>>
      %dma_start3A_70 = tpu.memref_slice %arg3[%mul3A_2] : memref<9216xi32, #tpu.memory_space<hbm>> -> memref<288xi32, #tpu.memory_space<hbm>>
      %dma_start3A_71 = tpu.memref_slice %arg3[%mul3A_2] : memref<9216xi32, #tpu.memory_space<hbm>> -> memref<288xi32, #tpu.memory_space<hbm>>
      tpu.enqueue_dma source(%dma_start3A_71 : memref<288xi32, #tpu.memory_space<hbm>>) target(%arg5 : memref<288xi32, #tpu.memory_space<vmem>>) target_semaphore(%run_scoped3A_69 : memref<!tpu.dma_semaphore, #tpu.memory_space<semaphore_mem>>)
      %dma_wait3A_72 = tpu.memref_slice %arg3[%mul3A_2] : memref<9216xi32, #tpu.memory_space<hbm>> -> memref<288xi32, #tpu.memory_space<hbm>>
      %dma_wait3A_73 = tpu.memref_slice %arg3[%mul3A_2] : memref<9216xi32, #tpu.memory_space<hbm>> -> memref<288xi32, #tpu.memory_space<hbm>>
      tpu.wait_dma2 semaphore(%run_scoped3A_69 : memref<!tpu.dma_semaphore, #tpu.memory_space<semaphore_mem>>) src(%dma_wait3A_73 : memref<288xi32, #tpu.memory_space<hbm>>) dst(%arg5 : memref<288xi32, #tpu.memory_space<vmem>>)
      tpu.yield
    }) : () -> ()
    %dma_start3A = arith.constant 0 : i32
    %dma_start3A_3 = arith.constant 0 : i32
    %dma_start3A_4 = arith.constant 0 : i32
    %dma_start3A_5 = tpu.memref_slice %arg6[%dma_start3A, %dma_start3A_3, %dma_start3A_4] : memref<3x96x128xf32, #tpu.memory_space<vmem>> -> memref<1x96x128xf32, #tpu.memory_space<vmem>>
    %dma_start3A_6 = tpu.memref_squeeze %dma_start3A_5 : memref<1x96x128xf32, #tpu.memory_space<vmem>> -> memref<96x128xf32, #tpu.memory_space<vmem>>
    %dma_start3A_7 = arith.constant 0 : i32
    %dma_start3A_8 = tpu.memref_slice %arg5[%dma_start3A_7] : memref<288xi32, #tpu.memory_space<vmem>> -> memref<96xi32, #tpu.memory_space<vmem>>
    %dma_start3A_9 = arith.constant 0 : i32
    %dma_start3A_10 = arith.constant 0 : i32
    %dma_start3A_11 = tpu.memref_slice %arg2[%dma_start3A_9, %dma_start3A_10] : memref<8192x128xf32, #tpu.memory_space<hbm>> -> memref<8192x128xf32, #tpu.memory_space<hbm>>
    tpu.enqueue_indirect_dma source(%dma_start3A_11 : memref<8192x128xf32, #tpu.memory_space<hbm>>) target(%dma_start3A_6 : memref<96x128xf32, #tpu.memory_space<vmem>>) offsets(%dma_start3A_8 : memref<96xi32, #tpu.memory_space<vmem>>) semaphore(%arg7 : memref<!tpu.dma_semaphore, #tpu.memory_space<semaphore_mem>>)
    %dma_start3A_12 = arith.constant 1 : i32
    %dma_start3A_13 = arith.constant 0 : i32
    %dma_start3A_14 = arith.constant 0 : i32
    %dma_start3A_15 = tpu.memref_slice %arg6[%dma_start3A_12, %dma_start3A_13, %dma_start3A_14] : memref<3x96x128xf32, #tpu.memory_space<vmem>> -> memref<1x96x128xf32, #tpu.memory_space<vmem>>
    %dma_start3A_16 = tpu.memref_squeeze %dma_start3A_15 : memref<1x96x128xf32, #tpu.memory_space<vmem>> -> memref<96x128xf32, #tpu.memory_space<vmem>>
    %dma_start3A_17 = arith.constant 96 : i32
    %dma_start3A_18 = tpu.memref_slice %arg5[%dma_start3A_17] : memref<288xi32, #tpu.memory_space<vmem>> -> memref<96xi32, #tpu.memory_space<vmem>>
    %dma_start3A_19 = arith.constant 0 : i32
    %dma_start3A_20 = arith.constant 0 : i32
    %dma_start3A_21 = tpu.memref_slice %arg2[%dma_start3A_19, %dma_start3A_20] : memref<8192x128xf32, #tpu.memory_space<hbm>> -> memref<8192x128xf32, #tpu.memory_space<hbm>>
    tpu.enqueue_indirect_dma source(%dma_start3A_21 : memref<8192x128xf32, #tpu.memory_space<hbm>>) target(%dma_start3A_16 : memref<96x128xf32, #tpu.memory_space<vmem>>) offsets(%dma_start3A_18 : memref<96xi32, #tpu.memory_space<vmem>>) semaphore(%arg7 : memref<!tpu.dma_semaphore, #tpu.memory_space<semaphore_mem>>)
    %dma_start3A_22 = arith.constant 2 : i32
    %dma_start3A_23 = arith.constant 0 : i32
    %dma_start3A_24 = arith.constant 0 : i32
    %dma_start3A_25 = tpu.memref_slice %arg6[%dma_start3A_22, %dma_start3A_23, %dma_start3A_24] : memref<3x96x128xf32, #tpu.memory_space<vmem>> -> memref<1x96x128xf32, #tpu.memory_space<vmem>>
    %dma_start3A_26 = tpu.memref_squeeze %dma_start3A_25 : memref<1x96x128xf32, #tpu.memory_space<vmem>> -> memref<96x128xf32, #tpu.memory_space<vmem>>
    %dma_start3A_27 = arith.constant 192 : i32
    %dma_start3A_28 = tpu.memref_slice %arg5[%dma_start3A_27] : memref<288xi32, #tpu.memory_space<vmem>> -> memref<96xi32, #tpu.memory_space<vmem>>
    %dma_start3A_29 = arith.constant 0 : i32
    %dma_start3A_30 = arith.constant 0 : i32
    %dma_start3A_31 = tpu.memref_slice %arg2[%dma_start3A_29, %dma_start3A_30] : memref<8192x128xf32, #tpu.memory_space<hbm>> -> memref<8192x128xf32, #tpu.memory_space<hbm>>
    tpu.enqueue_indirect_dma source(%dma_start3A_31 : memref<8192x128xf32, #tpu.memory_space<hbm>>) target(%dma_start3A_26 : memref<96x128xf32, #tpu.memory_space<vmem>>) offsets(%dma_start3A_28 : memref<96xi32, #tpu.memory_space<vmem>>) semaphore(%arg7 : memref<!tpu.dma_semaphore, #tpu.memory_space<semaphore_mem>>)
    %dma_wait3A = arith.constant 0 : i32
    %dma_wait3A_32 = arith.constant 0 : i32
    %dma_wait3A_33 = arith.constant 0 : i32
    %dma_wait3A_34 = tpu.memref_slice %arg6[%dma_wait3A, %dma_wait3A_32, %dma_wait3A_33] : memref<3x96x128xf32, #tpu.memory_space<vmem>> -> memref<1x96x128xf32, #tpu.memory_space<vmem>>
    %dma_wait3A_35 = tpu.memref_squeeze %dma_wait3A_34 : memref<1x96x128xf32, #tpu.memory_space<vmem>> -> memref<96x128xf32, #tpu.memory_space<vmem>>
    %dma_wait3A_36 = arith.constant 0 : i32
    %dma_wait3A_37 = tpu.memref_slice %arg5[%dma_wait3A_36] : memref<288xi32, #tpu.memory_space<vmem>> -> memref<96xi32, #tpu.memory_space<vmem>>
    %dma_wait3A_38 = arith.constant 0 : i32
    %dma_wait3A_39 = arith.constant 0 : i32
    %dma_wait3A_40 = tpu.memref_slice %arg2[%dma_wait3A_38, %dma_wait3A_39] : memref<8192x128xf32, #tpu.memory_space<hbm>> -> memref<8192x128xf32, #tpu.memory_space<hbm>>
    tpu.wait_indirect_dma semaphore(%arg7 : memref<!tpu.dma_semaphore, #tpu.memory_space<semaphore_mem>>) src(%dma_wait3A_40 : memref<8192x128xf32, #tpu.memory_space<hbm>>) dst(%dma_wait3A_35 : memref<96x128xf32, #tpu.memory_space<vmem>>)
    %dma_wait3A_41 = arith.constant 1 : i32
    %dma_wait3A_42 = arith.constant 0 : i32
    %dma_wait3A_43 = arith.constant 0 : i32
    %dma_wait3A_44 = tpu.memref_slice %arg6[%dma_wait3A_41, %dma_wait3A_42, %dma_wait3A_43] : memref<3x96x128xf32, #tpu.memory_space<vmem>> -> memref<1x96x128xf32, #tpu.memory_space<vmem>>
    %dma_wait3A_45 = tpu.memref_squeeze %dma_wait3A_44 : memref<1x96x128xf32, #tpu.memory_space<vmem>> -> memref<96x128xf32, #tpu.memory_space<vmem>>
    %dma_wait3A_46 = arith.constant 96 : i32
    %dma_wait3A_47 = tpu.memref_slice %arg5[%dma_wait3A_46] : memref<288xi32, #tpu.memory_space<vmem>> -> memref<96xi32, #tpu.memory_space<vmem>>
    %dma_wait3A_48 = arith.constant 0 : i32
    %dma_wait3A_49 = arith.constant 0 : i32
    %dma_wait3A_50 = tpu.memref_slice %arg2[%dma_wait3A_48, %dma_wait3A_49] : memref<8192x128xf32, #tpu.memory_space<hbm>> -> memref<8192x128xf32, #tpu.memory_space<hbm>>
    tpu.wait_indirect_dma semaphore(%arg7 : memref<!tpu.dma_semaphore, #tpu.memory_space<semaphore_mem>>) src(%dma_wait3A_50 : memref<8192x128xf32, #tpu.memory_space<hbm>>) dst(%dma_wait3A_45 : memref<96x128xf32, #tpu.memory_space<vmem>>)
    %dma_wait3A_51 = arith.constant 2 : i32
    %dma_wait3A_52 = arith.constant 0 : i32
    %dma_wait3A_53 = arith.constant 0 : i32
    %dma_wait3A_54 = tpu.memref_slice %arg6[%dma_wait3A_51, %dma_wait3A_52, %dma_wait3A_53] : memref<3x96x128xf32, #tpu.memory_space<vmem>> -> memref<1x96x128xf32, #tpu.memory_space<vmem>>
    %dma_wait3A_55 = tpu.memref_squeeze %dma_wait3A_54 : memref<1x96x128xf32, #tpu.memory_space<vmem>> -> memref<96x128xf32, #tpu.memory_space<vmem>>
    %dma_wait3A_56 = arith.constant 192 : i32
    %dma_wait3A_57 = tpu.memref_slice %arg5[%dma_wait3A_56] : memref<288xi32, #tpu.memory_space<vmem>> -> memref<96xi32, #tpu.memory_space<vmem>>
    %dma_wait3A_58 = arith.constant 0 : i32
    %dma_wait3A_59 = arith.constant 0 : i32
    %dma_wait3A_60 = tpu.memref_slice %arg2[%dma_wait3A_58, %dma_wait3A_59] : memref<8192x128xf32, #tpu.memory_space<hbm>> -> memref<8192x128xf32, #tpu.memory_space<hbm>>
    tpu.wait_indirect_dma semaphore(%arg7 : memref<!tpu.dma_semaphore, #tpu.memory_space<semaphore_mem>>) src(%dma_wait3A_60 : memref<8192x128xf32, #tpu.memory_space<hbm>>) dst(%dma_wait3A_55 : memref<96x128xf32, #tpu.memory_space<vmem>>)
    %add3A_61 = arith.constant 0 : i32
    %add3A_62 = arith.addi %mul3A_2, %add3A_61 : i32
    %run_scoped3A = arith.constant 0 : i32
    "tpu.region"() ({
      %run_scoped3A_69 = tpu.sem_alloc : memref<!tpu.dma_semaphore, #tpu.memory_space<semaphore_mem>>
      %dma_start3A_70 = arith.constant 0 : i32
      %dma_start3A_71 = arith.constant 0 : i32
      %dma_start3A_72 = tpu.memref_slice %arg6[%run_scoped3A, %dma_start3A_70, %dma_start3A_71] : memref<3x96x128xf32, #tpu.memory_space<vmem>> -> memref<1x96x128xf32, #tpu.memory_space<vmem>>
      %dma_start3A_73 = tpu.memref_squeeze %dma_start3A_72 : memref<1x96x128xf32, #tpu.memory_space<vmem>> -> memref<96x128xf32, #tpu.memory_space<vmem>>
      %dma_start3A_74 = arith.constant 0 : i32
      %dma_start3A_75 = tpu.memref_slice %arg4[%add3A_62, %dma_start3A_74] : memref<9216x128xf32, #tpu.memory_space<hbm>> -> memref<96x128xf32, #tpu.memory_space<hbm>>
      %dma_start3A_76 = arith.constant 0 : i32
      %dma_start3A_77 = tpu.memref_slice %arg4[%add3A_62, %dma_start3A_76] : memref<9216x128xf32, #tpu.memory_space<hbm>> -> memref<96x128xf32, #tpu.memory_space<hbm>>
      %dma_start3A_78 = arith.constant 0 : i32
      %dma_start3A_79 = arith.constant 0 : i32
      %dma_start3A_80 = tpu.memref_slice %arg6[%run_scoped3A, %dma_start3A_78, %dma_start3A_79] : memref<3x96x128xf32, #tpu.memory_space<vmem>> -> memref<1x96x128xf32, #tpu.memory_space<vmem>>
      %dma_start3A_81 = tpu.memref_squeeze %dma_start3A_80 : memref<1x96x128xf32, #tpu.memory_space<vmem>> -> memref<96x128xf32, #tpu.memory_space<vmem>>
      tpu.enqueue_dma source(%dma_start3A_81 : memref<96x128xf32, #tpu.memory_space<vmem>>) target(%dma_start3A_77 : memref<96x128xf32, #tpu.memory_space<hbm>>) target_semaphore(%run_scoped3A_69 : memref<!tpu.dma_semaphore, #tpu.memory_space<semaphore_mem>>)
      %dma_wait3A_82 = arith.constant 0 : i32
      %dma_wait3A_83 = arith.constant 0 : i32
      %dma_wait3A_84 = tpu.memref_slice %arg6[%run_scoped3A, %dma_wait3A_82, %dma_wait3A_83] : memref<3x96x128xf32, #tpu.memory_space<vmem>> -> memref<1x96x128xf32, #tpu.memory_space<vmem>>
      %dma_wait3A_85 = tpu.memref_squeeze %dma_wait3A_84 : memref<1x96x128xf32, #tpu.memory_space<vmem>> -> memref<96x128xf32, #tpu.memory_space<vmem>>
      %dma_wait3A_86 = arith.constant 0 : i32
      %dma_wait3A_87 = tpu.memref_slice %arg4[%add3A_62, %dma_wait3A_86] : memref<9216x128xf32, #tpu.memory_space<hbm>> -> memref<96x128xf32, #tpu.memory_space<hbm>>
      %dma_wait3A_88 = arith.constant 0 : i32
      %dma_wait3A_89 = tpu.memref_slice %arg4[%add3A_62, %dma_wait3A_88] : memref<9216x128xf32, #tpu.memory_space<hbm>> -> memref<96x128xf32, #tpu.memory_space<hbm>>
      %dma_wait3A_90 = arith.constant 0 : i32
      %dma_wait3A_91 = arith.constant 0 : i32
      %dma_wait3A_92 = tpu.memref_slice %arg6[%run_scoped3A, %dma_wait3A_90, %dma_wait3A_91] : memref<3x96x128xf32, #tpu.memory_space<vmem>> -> memref<1x96x128xf32, #tpu.memory_space<vmem>>
      %dma_wait3A_93 = tpu.memref_squeeze %dma_wait3A_92 : memref<1x96x128xf32, #tpu.memory_space<vmem>> -> memref<96x128xf32, #tpu.memory_space<vmem>>
      tpu.wait_dma2 semaphore(%run_scoped3A_69 : memref<!tpu.dma_semaphore, #tpu.memory_space<semaphore_mem>>) src(%dma_wait3A_93 : memref<96x128xf32, #tpu.memory_space<vmem>>) dst(%dma_wait3A_89 : memref<96x128xf32, #tpu.memory_space<hbm>>)
      tpu.yield
    }) : () -> ()
    %add3A_63 = arith.constant 96 : i32
    %add3A_64 = arith.addi %mul3A_2, %add3A_63 : i32
    %run_scoped3A_65 = arith.constant 1 : i32
    "tpu.region"() ({
      %run_scoped3A_69 = tpu.sem_alloc : memref<!tpu.dma_semaphore, #tpu.memory_space<semaphore_mem>>
      %dma_start3A_70 = arith.constant 0 : i32
      %dma_start3A_71 = arith.constant 0 : i32
      %dma_start3A_72 = tpu.memref_slice %arg6[%run_scoped3A_65, %dma_start3A_70, %dma_start3A_71] : memref<3x96x128xf32, #tpu.memory_space<vmem>> -> memref<1x96x128xf32, #tpu.memory_space<vmem>>
      %dma_start3A_73 = tpu.memref_squeeze %dma_start3A_72 : memref<1x96x128xf32, #tpu.memory_space<vmem>> -> memref<96x128xf32, #tpu.memory_space<vmem>>
      %dma_start3A_74 = arith.constant 0 : i32
      %dma_start3A_75 = tpu.memref_slice %arg4[%add3A_64, %dma_start3A_74] : memref<9216x128xf32, #tpu.memory_space<hbm>> -> memref<96x128xf32, #tpu.memory_space<hbm>>
      %dma_start3A_76 = arith.constant 0 : i32
      %dma_start3A_77 = tpu.memref_slice %arg4[%add3A_64, %dma_start3A_76] : memref<9216x128xf32, #tpu.memory_space<hbm>> -> memref<96x128xf32, #tpu.memory_space<hbm>>
      %dma_start3A_78 = arith.constant 0 : i32
      %dma_start3A_79 = arith.constant 0 : i32
      %dma_start3A_80 = tpu.memref_slice %arg6[%run_scoped3A_65, %dma_start3A_78, %dma_start3A_79] : memref<3x96x128xf32, #tpu.memory_space<vmem>> -> memref<1x96x128xf32, #tpu.memory_space<vmem>>
      %dma_start3A_81 = tpu.memref_squeeze %dma_start3A_80 : memref<1x96x128xf32, #tpu.memory_space<vmem>> -> memref<96x128xf32, #tpu.memory_space<vmem>>
      tpu.enqueue_dma source(%dma_start3A_81 : memref<96x128xf32, #tpu.memory_space<vmem>>) target(%dma_start3A_77 : memref<96x128xf32, #tpu.memory_space<hbm>>) target_semaphore(%run_scoped3A_69 : memref<!tpu.dma_semaphore, #tpu.memory_space<semaphore_mem>>)
      %dma_wait3A_82 = arith.constant 0 : i32
      %dma_wait3A_83 = arith.constant 0 : i32
      %dma_wait3A_84 = tpu.memref_slice %arg6[%run_scoped3A_65, %dma_wait3A_82, %dma_wait3A_83] : memref<3x96x128xf32, #tpu.memory_space<vmem>> -> memref<1x96x128xf32, #tpu.memory_space<vmem>>
      %dma_wait3A_85 = tpu.memref_squeeze %dma_wait3A_84 : memref<1x96x128xf32, #tpu.memory_space<vmem>> -> memref<96x128xf32, #tpu.memory_space<vmem>>
      %dma_wait3A_86 = arith.constant 0 : i32
      %dma_wait3A_87 = tpu.memref_slice %arg4[%add3A_64, %dma_wait3A_86] : memref<9216x128xf32, #tpu.memory_space<hbm>> -> memref<96x128xf32, #tpu.memory_space<hbm>>
      %dma_wait3A_88 = arith.constant 0 : i32
      %dma_wait3A_89 = tpu.memref_slice %arg4[%add3A_64, %dma_wait3A_88] : memref<9216x128xf32, #tpu.memory_space<hbm>> -> memref<96x128xf32, #tpu.memory_space<hbm>>
      %dma_wait3A_90 = arith.constant 0 : i32
      %dma_wait3A_91 = arith.constant 0 : i32
      %dma_wait3A_92 = tpu.memref_slice %arg6[%run_scoped3A_65, %dma_wait3A_90, %dma_wait3A_91] : memref<3x96x128xf32, #tpu.memory_space<vmem>> -> memref<1x96x128xf32, #tpu.memory_space<vmem>>
      %dma_wait3A_93 = tpu.memref_squeeze %dma_wait3A_92 : memref<1x96x128xf32, #tpu.memory_space<vmem>> -> memref<96x128xf32, #tpu.memory_space<vmem>>
      tpu.wait_dma2 semaphore(%run_scoped3A_69 : memref<!tpu.dma_semaphore, #tpu.memory_space<semaphore_mem>>) src(%dma_wait3A_93 : memref<96x128xf32, #tpu.memory_space<vmem>>) dst(%dma_wait3A_89 : memref<96x128xf32, #tpu.memory_space<hbm>>)
      tpu.yield
    }) : () -> ()
    %add3A_66 = arith.constant 192 : i32
    %add3A_67 = arith.addi %mul3A_2, %add3A_66 : i32
    %run_scoped3A_68 = arith.constant 2 : i32
    "tpu.region"() ({
      %run_scoped3A_69 = tpu.sem_alloc : memref<!tpu.dma_semaphore, #tpu.memory_space<semaphore_mem>>
      %dma_start3A_70 = arith.constant 0 : i32
      %dma_start3A_71 = arith.constant 0 : i32
      %dma_start3A_72 = tpu.memref_slice %arg6[%run_scoped3A_68, %dma_start3A_70, %dma_start3A_71] : memref<3x96x128xf32, #tpu.memory_space<vmem>> -> memref<1x96x128xf32, #tpu.memory_space<vmem>>
      %dma_start3A_73 = tpu.memref_squeeze %dma_start3A_72 : memref<1x96x128xf32, #tpu.memory_space<vmem>> -> memref<96x128xf32, #tpu.memory_space<vmem>>
      %dma_start3A_74 = arith.constant 0 : i32
      %dma_start3A_75 = tpu.memref_slice %arg4[%add3A_67, %dma_start3A_74] : memref<9216x128xf32, #tpu.memory_space<hbm>> -> memref<96x128xf32, #tpu.memory_space<hbm>>
      %dma_start3A_76 = arith.constant 0 : i32
      %dma_start3A_77 = tpu.memref_slice %arg4[%add3A_67, %dma_start3A_76] : memref<9216x128xf32, #tpu.memory_space<hbm>> -> memref<96x128xf32, #tpu.memory_space<hbm>>
      %dma_start3A_78 = arith.constant 0 : i32
      %dma_start3A_79 = arith.constant 0 : i32
      %dma_start3A_80 = tpu.memref_slice %arg6[%run_scoped3A_68, %dma_start3A_78, %dma_start3A_79] : memref<3x96x128xf32, #tpu.memory_space<vmem>> -> memref<1x96x128xf32, #tpu.memory_space<vmem>>
      %dma_start3A_81 = tpu.memref_squeeze %dma_start3A_80 : memref<1x96x128xf32, #tpu.memory_space<vmem>> -> memref<96x128xf32, #tpu.memory_space<vmem>>
      tpu.enqueue_dma source(%dma_start3A_81 : memref<96x128xf32, #tpu.memory_space<vmem>>) target(%dma_start3A_77 : memref<96x128xf32, #tpu.memory_space<hbm>>) target_semaphore(%run_scoped3A_69 : memref<!tpu.dma_semaphore, #tpu.memory_space<semaphore_mem>>)
      %dma_wait3A_82 = arith.constant 0 : i32
      %dma_wait3A_83 = arith.constant 0 : i32
      %dma_wait3A_84 = tpu.memref_slice %arg6[%run_scoped3A_68, %dma_wait3A_82, %dma_wait3A_83] : memref<3x96x128xf32, #tpu.memory_space<vmem>> -> memref<1x96x128xf32, #tpu.memory_space<vmem>>
      %dma_wait3A_85 = tpu.memref_squeeze %dma_wait3A_84 : memref<1x96x128xf32, #tpu.memory_space<vmem>> -> memref<96x128xf32, #tpu.memory_space<vmem>>
      %dma_wait3A_86 = arith.constant 0 : i32
      %dma_wait3A_87 = tpu.memref_slice %arg4[%add3A_67, %dma_wait3A_86] : memref<9216x128xf32, #tpu.memory_space<hbm>> -> memref<96x128xf32, #tpu.memory_space<hbm>>
      %dma_wait3A_88 = arith.constant 0 : i32
      %dma_wait3A_89 = tpu.memref_slice %arg4[%add3A_67, %dma_wait3A_88] : memref<9216x128xf32, #tpu.memory_space<hbm>> -> memref<96x128xf32, #tpu.memory_space<hbm>>
      %dma_wait3A_90 = arith.constant 0 : i32
      %dma_wait3A_91 = arith.constant 0 : i32
      %dma_wait3A_92 = tpu.memref_slice %arg6[%run_scoped3A_68, %dma_wait3A_90, %dma_wait3A_91] : memref<3x96x128xf32, #tpu.memory_space<vmem>> -> memref<1x96x128xf32, #tpu.memory_space<vmem>>
      %dma_wait3A_93 = tpu.memref_squeeze %dma_wait3A_92 : memref<1x96x128xf32, #tpu.memory_space<vmem>> -> memref<96x128xf32, #tpu.memory_space<vmem>>
      tpu.wait_dma2 semaphore(%run_scoped3A_69 : memref<!tpu.dma_semaphore, #tpu.memory_space<semaphore_mem>>) src(%dma_wait3A_93 : memref<96x128xf32, #tpu.memory_space<vmem>>) dst(%dma_wait3A_89 : memref<96x128xf32, #tpu.memory_space<hbm>>)
      tpu.yield
    }) : () -> ()
    return
  }
}

module attributes {stable_mosaic.version = 14 : i64} {
  func.func @_enc_vq_body(%arg0: i32, %arg1: memref<1x288x128xf32, #tpu.memory_space<vmem>>, %arg2: memref<128x512xf32, #tpu.memory_space<vmem>>, %arg3: memref<1x512xf32, #tpu.memory_space<vmem>>, %arg4: memref<512x256xf32, #tpu.memory_space<vmem>>, %arg5: memref<1x256xf32, #tpu.memory_space<vmem>>, %arg6: memref<256x64xf32, #tpu.memory_space<vmem>>, %arg7: memref<1x64xf32, #tpu.memory_space<vmem>>, %arg8: memref<1x288x32xf32, #tpu.memory_space<vmem>>, %arg9: memref<8192x32xf32, #tpu.memory_space<vmem>>, %arg10: memref<1x288x32xf32, #tpu.memory_space<vmem>>, %arg11: memref<1x288x32xf32, #tpu.memory_space<vmem>>, %arg12: memref<1x288x32xf32, #tpu.memory_space<vmem>>, %arg13: memref<1x1x288xi32, #tpu.memory_space<vmem>>, %arg14: memref<8192x128xf32, #tpu.memory_space<vmem>>, %arg15: memref<8192x40xf32, #tpu.memory_space<vmem>>, %arg16: memref<288x40xf32, #tpu.memory_space<vmem>>) attributes {dimension_semantics = [#tpu.dimension_semantics<arbitrary>], iteration_bounds = array<i64: 32>, scalar_prefetch = 0 : i64, scratch_operands = 2 : i64, tpu.core_type = #tpu.core_type<tc>, window_params = [{transform_indices = @transform_0, window_bounds = array<i64: 1, 288, 128>}, {pipeline_mode = #tpu.pipeline_mode<synchronous>, transform_indices = @transform_1, window_bounds = array<i64: 128, 512>}, {pipeline_mode = #tpu.pipeline_mode<synchronous>, transform_indices = @transform_2, window_bounds = array<i64: 1, 512>}, {pipeline_mode = #tpu.pipeline_mode<synchronous>, transform_indices = @transform_3, window_bounds = array<i64: 512, 256>}, {pipeline_mode = #tpu.pipeline_mode<synchronous>, transform_indices = @transform_4, window_bounds = array<i64: 1, 256>}, {pipeline_mode = #tpu.pipeline_mode<synchronous>, transform_indices = @transform_5, window_bounds = array<i64: 256, 64>}, {pipeline_mode = #tpu.pipeline_mode<synchronous>, transform_indices = @transform_6, window_bounds = array<i64: 1, 64>}, {transform_indices = @transform_7, window_bounds = array<i64: 1, 288, 32>}, {pipeline_mode = #tpu.pipeline_mode<synchronous>, transform_indices = @transform_8, window_bounds = array<i64: 8192, 32>}, {transform_indices = @transform_9, window_bounds = array<i64: 1, 288, 32>}, {transform_indices = @transform_10, window_bounds = array<i64: 1, 288, 32>}, {transform_indices = @transform_11, window_bounds = array<i64: 1, 288, 32>}, {transform_indices = @transform_12, window_bounds = array<i64: 1, 1, 288>}, {pipeline_mode = #tpu.pipeline_mode<synchronous>, transform_indices = @transform_13, window_bounds = array<i64: 8192, 128>}]} {
    %eq3A = arith.constant 0 : i32
    %eq3A_0 = arith.cmpi eq, %arg0, %eq3A : i32
    %convert_element_type3A = arith.extui %eq3A_0 : i1 to i32
    %cond3A = arith.constant 0 : i32
    %cond3A_1 = arith.cmpi ne, %convert_element_type3A, %cond3A : i32
    scf.if %cond3A_1 {
      %get3A_89 = arith.constant 0 : index
      %get3A_90 = arith.constant 0 : index
      %get3A_91 = vector.load %arg9[%get3A_89, %get3A_90] : memref<8192x32xf32, #tpu.memory_space<vmem>>, vector<8192x32xf32>
      %swap3A_92 = arith.constant 0 : index
      %swap3A_93 = arith.constant 0 : index
      %swap3A_94 = vector.load %arg15[%swap3A_92, %swap3A_93] : memref<8192x40xf32, #tpu.memory_space<vmem>>, vector<8192x32xf32>
      tpu.vector_store %arg15[%swap3A_92, %swap3A_93], %get3A_91 {strides = array<i32>} : memref<8192x40xf32, #tpu.memory_space<vmem>>, vector<8192x32xf32>,
      %mul3A_95 = arith.mulf %get3A_91, %get3A_91 : vector<8192x32xf32>
      %reduce_sum3A = arith.constant dense<0.000000e+00> : vector<8192xf32>
      %reduce_sum3A_96 = vector.multi_reduction <add>, %mul3A_95, %reduce_sum3A [1] : vector<8192x32xf32> to vector<8192xf32>
      %broadcast_in_dim3A_97 = vector.shape_cast %reduce_sum3A_96 : vector<8192xf32> to vector<8192x1xf32>
      %swap3A_98 = arith.constant 0 : index
      %swap3A_99 = arith.constant 32 : index
      %swap3A_100 = vector.load %arg15[%swap3A_98, %swap3A_99] : memref<8192x40xf32, #tpu.memory_space<vmem>>, vector<8192x1xf32>
      tpu.vector_store %arg15[%swap3A_98, %swap3A_99], %broadcast_in_dim3A_97 {strides = array<i32>} : memref<8192x40xf32, #tpu.memory_space<vmem>>, vector<8192x1xf32>,
      %broadcast_in_dim3A_101 = arith.constant 0.000000e+00 : f32
      %broadcast_in_dim3A_102 = vector.broadcast %broadcast_in_dim3A_101 : f32 to vector<8192x7xf32>
      %swap3A_103 = arith.constant 0 : index
      %swap3A_104 = arith.constant 33 : index
      %swap3A_105 = vector.load %arg15[%swap3A_103, %swap3A_104] : memref<8192x40xf32, #tpu.memory_space<vmem>>, vector<8192x7xf32>
      tpu.vector_store %arg15[%swap3A_103, %swap3A_104], %broadcast_in_dim3A_102 {strides = array<i32>} : memref<8192x40xf32, #tpu.memory_space<vmem>>, vector<8192x7xf32>,
      %broadcast_in_dim3A_106 = arith.constant 1.000000e+00 : f32
      %broadcast_in_dim3A_107 = vector.broadcast %broadcast_in_dim3A_106 : f32 to vector<288x1xf32>
      %broadcast_in_dim3A_108 = arith.constant 0.000000e+00 : f32
      %broadcast_in_dim3A_109 = vector.broadcast %broadcast_in_dim3A_108 : f32 to vector<288x7xf32>
      %concatenate3A = tpu.concatenate %broadcast_in_dim3A_107, %broadcast_in_dim3A_109 in 1 : vector<288x1xf32>, vector<288x7xf32> -> vector<288x8xf32>
      %swap3A_110 = arith.constant 0 : index
      %swap3A_111 = arith.constant 32 : index
      %swap3A_112 = vector.load %arg16[%swap3A_110, %swap3A_111] : memref<288x40xf32, #tpu.memory_space<vmem>>, vector<288x8xf32>
      tpu.vector_store %arg16[%swap3A_110, %swap3A_111], %concatenate3A {strides = array<i32>} : memref<288x40xf32, #tpu.memory_space<vmem>>, vector<288x8xf32>,
      %swap3A_113 = arith.constant 0 : index
      %swap3A_114 = arith.constant 0 : index
      %swap3A_115 = vector.load %arg14[%swap3A_113, %swap3A_114] : memref<8192x128xf32, #tpu.memory_space<vmem>>, vector<8192x32xf32>
      tpu.vector_store %arg14[%swap3A_113, %swap3A_114], %get3A_91 {strides = array<i32>} : memref<8192x128xf32, #tpu.memory_space<vmem>>, vector<8192x32xf32>,
      %broadcast_in_dim3A_116 = arith.constant 0.000000e+00 : f32
      %broadcast_in_dim3A_117 = vector.broadcast %broadcast_in_dim3A_116 : f32 to vector<8192x96xf32>
      %swap3A_118 = arith.constant 0 : index
      %swap3A_119 = arith.constant 32 : index
      %swap3A_120 = vector.load %arg14[%swap3A_118, %swap3A_119] : memref<8192x128xf32, #tpu.memory_space<vmem>>, vector<8192x96xf32>
      tpu.vector_store %arg14[%swap3A_118, %swap3A_119], %broadcast_in_dim3A_117 {strides = array<i32>} : memref<8192x128xf32, #tpu.memory_space<vmem>>, vector<8192x96xf32>,
    } else {
    }
    %get3A = arith.constant 0 : index
    %get3A_2 = arith.constant 0 : index
    %get3A_3 = arith.constant 0 : index
    %get3A_4 = vector.load %arg1[%get3A, %get3A_2, %get3A_3] : memref<1x288x128xf32, #tpu.memory_space<vmem>>, vector<1x288x128xf32>
    %reshape3A = vector.shape_cast %get3A_4 : vector<1x288x128xf32> to vector<288x128xf32>
    %get3A_5 = arith.constant 0 : index
    %get3A_6 = arith.constant 0 : index
    %get3A_7 = vector.load %arg2[%get3A_5, %get3A_6] : memref<128x512xf32, #tpu.memory_space<vmem>>, vector<128x512xf32>
    %dot_general3A = arith.constant dense<0.000000e+00> : vector<288x512xf32>
    %dot_general3A_8 = tpu.matmul %reshape3A, %get3A_7, %dot_general3A {dimension_numbers = #tpu.dot_dimension_numbers<[1], [0], [0], [1], [0, 0, 1, 1], [], []>, transpose_lhs_hint = false} : vector<288x128xf32>, vector<128x512xf32>, vector<288x512xf32> -> vector<288x512xf32>
    %get3A_9 = arith.constant 0 : index
    %get3A_10 = arith.constant 0 : index
    %get3A_11 = vector.load %arg3[%get3A_9, %get3A_10] : memref<1x512xf32, #tpu.memory_space<vmem>>, vector<1x512xf32>
    %add3A = vector.broadcast %get3A_11 : vector<1x512xf32> to vector<288x512xf32>
    %add3A_12 = arith.addf %dot_general3A_8, %add3A : vector<288x512xf32>
    %max3A = arith.constant 0.000000e+00 : f32
    %max3A_13 = vector.broadcast %max3A : f32 to vector<288x512xf32>
    %max3A_14 = arith.maximumf %add3A_12, %max3A_13 : vector<288x512xf32>
    %get3A_15 = arith.constant 0 : index
    %get3A_16 = arith.constant 0 : index
    %get3A_17 = vector.load %arg4[%get3A_15, %get3A_16] : memref<512x256xf32, #tpu.memory_space<vmem>>, vector<512x256xf32>
    %dot_general3A_18 = arith.constant dense<0.000000e+00> : vector<288x256xf32>
    %dot_general3A_19 = tpu.matmul %max3A_14, %get3A_17, %dot_general3A_18 {dimension_numbers = #tpu.dot_dimension_numbers<[1], [0], [0], [1], [0, 0, 1, 1], [], []>, transpose_lhs_hint = false} : vector<288x512xf32>, vector<512x256xf32>, vector<288x256xf32> -> vector<288x256xf32>
    %get3A_20 = arith.constant 0 : index
    %get3A_21 = arith.constant 0 : index
    %get3A_22 = vector.load %arg5[%get3A_20, %get3A_21] : memref<1x256xf32, #tpu.memory_space<vmem>>, vector<1x256xf32>
    %add3A_23 = vector.broadcast %get3A_22 : vector<1x256xf32> to vector<288x256xf32>
    %add3A_24 = arith.addf %dot_general3A_19, %add3A_23 : vector<288x256xf32>
    %max3A_25 = arith.constant 0.000000e+00 : f32
    %max3A_26 = vector.broadcast %max3A_25 : f32 to vector<288x256xf32>
    %max3A_27 = arith.maximumf %add3A_24, %max3A_26 : vector<288x256xf32>
    %get3A_28 = arith.constant 0 : index
    %get3A_29 = arith.constant 0 : index
    %get3A_30 = vector.load %arg6[%get3A_28, %get3A_29] : memref<256x64xf32, #tpu.memory_space<vmem>>, vector<256x64xf32>
    %dot_general3A_31 = arith.constant dense<0.000000e+00> : vector<288x64xf32>
    %dot_general3A_32 = tpu.matmul %max3A_27, %get3A_30, %dot_general3A_31 {dimension_numbers = #tpu.dot_dimension_numbers<[1], [0], [0], [1], [0, 0, 1, 1], [], []>, transpose_lhs_hint = false} : vector<288x256xf32>, vector<256x64xf32>, vector<288x64xf32> -> vector<288x64xf32>
    %get3A_33 = arith.constant 0 : index
    %get3A_34 = arith.constant 0 : index
    %get3A_35 = vector.load %arg7[%get3A_33, %get3A_34] : memref<1x64xf32, #tpu.memory_space<vmem>>, vector<1x64xf32>
    %add3A_36 = vector.broadcast %get3A_35 : vector<1x64xf32> to vector<288x64xf32>
    %add3A_37 = arith.addf %dot_general3A_32, %add3A_36 : vector<288x64xf32>
    %slice3A = vector.extract_strided_slice %add3A_37 {offsets = [0, 0], sizes = [288, 32], strides = [1, 1]} : vector<288x64xf32> to vector<288x32xf32>
    %slice3A_38 = vector.extract_strided_slice %add3A_37 {offsets = [0, 32], sizes = [288, 32], strides = [1, 1]} : vector<288x64xf32> to vector<288x32xf32>
    %mul3A = arith.constant 5.000000e-01 : f32
    %mul3A_39 = vector.broadcast %mul3A : f32 to vector<288x32xf32>
    %mul3A_40 = arith.mulf %mul3A_39, %slice3A_38 : vector<288x32xf32>
    %exp3A = math.exp %mul3A_40 : vector<288x32xf32>
    %get3A_41 = arith.constant 0 : index
    %get3A_42 = arith.constant 0 : index
    %get3A_43 = arith.constant 0 : index
    %get3A_44 = vector.load %arg8[%get3A_41, %get3A_42, %get3A_43] : memref<1x288x32xf32, #tpu.memory_space<vmem>>, vector<1x288x32xf32>
    %reshape3A_45 = vector.shape_cast %get3A_44 : vector<1x288x32xf32> to vector<288x32xf32>
    %mul3A_46 = arith.mulf %exp3A, %reshape3A_45 : vector<288x32xf32>
    %add3A_47 = arith.addf %slice3A, %mul3A_46 : vector<288x32xf32>
    %reshape3A_48 = vector.shape_cast %slice3A : vector<288x32xf32> to vector<1x288x32xf32>
    %swap3A = arith.constant 0 : index
    %swap3A_49 = arith.constant 0 : index
    %swap3A_50 = arith.constant 0 : index
    %swap3A_51 = vector.load %arg10[%swap3A, %swap3A_49, %swap3A_50] : memref<1x288x32xf32, #tpu.memory_space<vmem>>, vector<1x288x32xf32>
    tpu.vector_store %arg10[%swap3A, %swap3A_49, %swap3A_50], %reshape3A_48 {strides = array<i32>} : memref<1x288x32xf32, #tpu.memory_space<vmem>>, vector<1x288x32xf32>,
    %reshape3A_52 = vector.shape_cast %slice3A_38 : vector<288x32xf32> to vector<1x288x32xf32>
    %swap3A_53 = arith.constant 0 : index
    %swap3A_54 = arith.constant 0 : index
    %swap3A_55 = arith.constant 0 : index
    %swap3A_56 = vector.load %arg11[%swap3A_53, %swap3A_54, %swap3A_55] : memref<1x288x32xf32, #tpu.memory_space<vmem>>, vector<1x288x32xf32>
    tpu.vector_store %arg11[%swap3A_53, %swap3A_54, %swap3A_55], %reshape3A_52 {strides = array<i32>} : memref<1x288x32xf32, #tpu.memory_space<vmem>>, vector<1x288x32xf32>,
    %reshape3A_57 = vector.shape_cast %add3A_47 : vector<288x32xf32> to vector<1x288x32xf32>
    %swap3A_58 = arith.constant 0 : index
    %swap3A_59 = arith.constant 0 : index
    %swap3A_60 = arith.constant 0 : index
    %swap3A_61 = vector.load %arg12[%swap3A_58, %swap3A_59, %swap3A_60] : memref<1x288x32xf32, #tpu.memory_space<vmem>>, vector<1x288x32xf32>
    tpu.vector_store %arg12[%swap3A_58, %swap3A_59, %swap3A_60], %reshape3A_57 {strides = array<i32>} : memref<1x288x32xf32, #tpu.memory_space<vmem>>, vector<1x288x32xf32>,
    %mul3A_62 = arith.constant -2.000000e+00 : f32
    %mul3A_63 = vector.broadcast %mul3A_62 : f32 to vector<288x32xf32>
    %mul3A_64 = arith.mulf %mul3A_63, %add3A_47 : vector<288x32xf32>
    %swap3A_65 = arith.constant 0 : index
    %swap3A_66 = arith.constant 0 : index
    %swap3A_67 = vector.load %arg16[%swap3A_65, %swap3A_66] : memref<288x40xf32, #tpu.memory_space<vmem>>, vector<288x32xf32>
    tpu.vector_store %arg16[%swap3A_65, %swap3A_66], %mul3A_64 {strides = array<i32>} : memref<288x40xf32, #tpu.memory_space<vmem>>, vector<288x32xf32>,
    %get3A_68 = arith.constant 0 : index
    %get3A_69 = arith.constant 0 : index
    %get3A_70 = vector.load %arg16[%get3A_68, %get3A_69] : memref<288x40xf32, #tpu.memory_space<vmem>>, vector<288x40xf32>
    %get3A_71 = arith.constant 0 : index
    %get3A_72 = arith.constant 0 : index
    %get3A_73 = vector.load %arg15[%get3A_71, %get3A_72] : memref<8192x40xf32, #tpu.memory_space<vmem>>, vector<8192x40xf32>
    %dot_general3A_74 = arith.constant dense<0.000000e+00> : vector<288x8192xf32>
    %dot_general3A_75 = tpu.matmul %get3A_70, %get3A_73, %dot_general3A_74 {dimension_numbers = #tpu.dot_dimension_numbers<[1], [1], [0], [0], [0, 0, 1, 0], [], []>, transpose_lhs_hint = false} : vector<288x40xf32>, vector<8192x40xf32>, vector<288x8192xf32> -> vector<288x8192xf32>
    %reduce_min3A = arith.constant dense<0x7F800000> : vector<288xf32>
    %reduce_min3A_76 = vector.multi_reduction <minimumf>, %dot_general3A_75, %reduce_min3A [1] : vector<288x8192xf32> to vector<288xf32>
    %broadcast_in_dim3A = vector.shape_cast %reduce_min3A_76 : vector<288xf32> to vector<288x1xf32>
    %iota3A = tpu.iota {dimensions = array<i32: 1>} : vector<288x8192xi32>
    %convert_element_type3A_77 = arith.sitofp %iota3A : vector<288x8192xi32> to vector<288x8192xf32>
    %le3A = vector.broadcast %broadcast_in_dim3A : vector<288x1xf32> to vector<288x8192xf32>
    %le3A_78 = arith.cmpf ole, %dot_general3A_75, %le3A : vector<288x8192xf32>
    %jit3A = arith.constant 8.192000e+03 : f32
    %broadcast_in_dim3A_79 = vector.broadcast %jit3A : f32 to vector<288x8192xf32>
    %select_n3A = arith.select %le3A_78, %convert_element_type3A_77, %broadcast_in_dim3A_79 : vector<288x8192xi1>, vector<288x8192xf32>
    %reduce_min3A_80 = arith.constant dense<0x7F800000> : vector<288xf32>
    %reduce_min3A_81 = vector.multi_reduction <minimumf>, %select_n3A, %reduce_min3A_80 [1] : vector<288x8192xf32> to vector<288xf32>
    %convert_element_type3A_82 = arith.fptosi %reduce_min3A_81 : vector<288xf32> to vector<288xi32>
    %swap3A_83 = arith.constant 0 : index
    %swap3A_84 = arith.constant 0 : index
    %swap3A_85 = arith.constant 0 : index
    %swap3A_86 = vector.load %arg13[%swap3A_83, %swap3A_84, %swap3A_85] : memref<1x1x288xi32, #tpu.memory_space<vmem>>, vector<1x1x288xi32>
    %swap3A_87 = vector.shape_cast %swap3A_86 : vector<1x1x288xi32> to vector<288xi32>
    %swap3A_88 = vector.shape_cast %convert_element_type3A_82 : vector<288xi32> to vector<1x1x288xi32>
    tpu.vector_store %arg13[%swap3A_83, %swap3A_84, %swap3A_85], %swap3A_88 {strides = array<i32>} : memref<1x1x288xi32, #tpu.memory_space<vmem>>, vector<1x1x288xi32>,
    return
  }
  func.func @transform_0(%arg0: i32) -> (i32, i32, i32) {
    %jit3A = arith.constant 2 : i32
    %div3A = arith.divsi %arg0, %jit3A : i32
    %sign3A = arith.constant 0 : i32
    %sign3A_0 = arith.cmpi sgt, %arg0, %sign3A : i32
    %sign3A_1 = arith.extui %sign3A_0 : i1 to i32
    %sign3A_2 = arith.constant 0 : i32
    %sign3A_3 = arith.cmpi slt, %arg0, %sign3A_2 : i32
    %sign3A_4 = arith.extui %sign3A_3 : i1 to i32
    %sign3A_5 = arith.subi %sign3A_1, %sign3A_4 : i32
    %sign3A_6 = arith.constant 0 : i32
    %sign3A_7 = arith.cmpi sgt, %jit3A, %sign3A_6 : i32
    %sign3A_8 = arith.extui %sign3A_7 : i1 to i32
    %sign3A_9 = arith.constant 0 : i32
    %sign3A_10 = arith.cmpi slt, %jit3A, %sign3A_9 : i32
    %sign3A_11 = arith.extui %sign3A_10 : i1 to i32
    %sign3A_12 = arith.subi %sign3A_8, %sign3A_11 : i32
    %ne3A = arith.cmpi ne, %sign3A_5, %sign3A_12 : i32
    %rem3A = arith.remsi %arg0, %jit3A : i32
    %ne3A_13 = arith.constant 0 : i32
    %ne3A_14 = arith.cmpi ne, %rem3A, %ne3A_13 : i32
    %and3A = arith.andi %ne3A, %ne3A_14 : i1
    %sub3A = arith.constant 1 : i32
    %sub3A_15 = arith.subi %div3A, %sub3A : i32
    %select_n3A = arith.select %and3A, %sub3A_15, %div3A : i32
    %jit3A_16 = arith.constant 2 : i32
    %eq3A = arith.constant 0 : i32
    %eq3A_17 = arith.cmpi eq, %jit3A_16, %eq3A : i32
    %jit3A_18 = arith.constant 1 : i32
    %select_n3A_19 = arith.select %eq3A_17, %jit3A_18, %jit3A_16 : i32
    %rem3A_20 = arith.remsi %arg0, %select_n3A_19 : i32
    %ne3A_21 = arith.constant 0 : i32
    %ne3A_22 = arith.cmpi ne, %rem3A_20, %ne3A_21 : i32
    %lt3A = arith.constant 0 : i32
    %lt3A_23 = arith.cmpi slt, %rem3A_20, %lt3A : i32
    %lt3A_24 = arith.constant 0 : i32
    %lt3A_25 = arith.cmpi slt, %select_n3A_19, %lt3A_24 : i32
    %ne3A_26 = arith.xori %lt3A_23, %lt3A_25 : i1
    %and3A_27 = arith.andi %ne3A_26, %ne3A_22 : i1
    %add3A = arith.addi %rem3A_20, %select_n3A_19 : i32
    %select_n3A_28 = arith.select %and3A_27, %add3A, %rem3A_20 : i32
    %c0_i32 = arith.constant 0 : i32
    %c0_i32_29 = arith.constant 0 : i32
    return %select_n3A, %select_n3A_28, %c0_i32 : i32, i32, i32
  }
  func.func @transform_1(%arg0: i32) -> (i32, i32) {
    %c0_i32 = arith.constant 0 : i32
    %c0_i32_0 = arith.constant 0 : i32
    %c0_i32_1 = arith.constant 0 : i32
    return %c0_i32, %c0_i32_0 : i32, i32
  }
  func.func @transform_2(%arg0: i32) -> (i32, i32) {
    %c0_i32 = arith.constant 0 : i32
    %c0_i32_0 = arith.constant 0 : i32
    %c0_i32_1 = arith.constant 0 : i32
    return %c0_i32, %c0_i32_0 : i32, i32
  }
  func.func @transform_3(%arg0: i32) -> (i32, i32) {
    %c0_i32 = arith.constant 0 : i32
    %c0_i32_0 = arith.constant 0 : i32
    %c0_i32_1 = arith.constant 0 : i32
    return %c0_i32, %c0_i32_0 : i32, i32
  }
  func.func @transform_4(%arg0: i32) -> (i32, i32) {
    %c0_i32 = arith.constant 0 : i32
    %c0_i32_0 = arith.constant 0 : i32
    %c0_i32_1 = arith.constant 0 : i32
    return %c0_i32, %c0_i32_0 : i32, i32
  }
  func.func @transform_5(%arg0: i32) -> (i32, i32) {
    %c0_i32 = arith.constant 0 : i32
    %c0_i32_0 = arith.constant 0 : i32
    %c0_i32_1 = arith.constant 0 : i32
    return %c0_i32, %c0_i32_0 : i32, i32
  }
  func.func @transform_6(%arg0: i32) -> (i32, i32) {
    %c0_i32 = arith.constant 0 : i32
    %c0_i32_0 = arith.constant 0 : i32
    %c0_i32_1 = arith.constant 0 : i32
    return %c0_i32, %c0_i32_0 : i32, i32
  }
  func.func @transform_7(%arg0: i32) -> (i32, i32, i32) {
    %jit3A = arith.constant 2 : i32
    %div3A = arith.divsi %arg0, %jit3A : i32
    %sign3A = arith.constant 0 : i32
    %sign3A_0 = arith.cmpi sgt, %arg0, %sign3A : i32
    %sign3A_1 = arith.extui %sign3A_0 : i1 to i32
    %sign3A_2 = arith.constant 0 : i32
    %sign3A_3 = arith.cmpi slt, %arg0, %sign3A_2 : i32
    %sign3A_4 = arith.extui %sign3A_3 : i1 to i32
    %sign3A_5 = arith.subi %sign3A_1, %sign3A_4 : i32
    %sign3A_6 = arith.constant 0 : i32
    %sign3A_7 = arith.cmpi sgt, %jit3A, %sign3A_6 : i32
    %sign3A_8 = arith.extui %sign3A_7 : i1 to i32
    %sign3A_9 = arith.constant 0 : i32
    %sign3A_10 = arith.cmpi slt, %jit3A, %sign3A_9 : i32
    %sign3A_11 = arith.extui %sign3A_10 : i1 to i32
    %sign3A_12 = arith.subi %sign3A_8, %sign3A_11 : i32
    %ne3A = arith.cmpi ne, %sign3A_5, %sign3A_12 : i32
    %rem3A = arith.remsi %arg0, %jit3A : i32
    %ne3A_13 = arith.constant 0 : i32
    %ne3A_14 = arith.cmpi ne, %rem3A, %ne3A_13 : i32
    %and3A = arith.andi %ne3A, %ne3A_14 : i1
    %sub3A = arith.constant 1 : i32
    %sub3A_15 = arith.subi %div3A, %sub3A : i32
    %select_n3A = arith.select %and3A, %sub3A_15, %div3A : i32
    %jit3A_16 = arith.constant 2 : i32
    %eq3A = arith.constant 0 : i32
    %eq3A_17 = arith.cmpi eq, %jit3A_16, %eq3A : i32
    %jit3A_18 = arith.constant 1 : i32
    %select_n3A_19 = arith.select %eq3A_17, %jit3A_18, %jit3A_16 : i32
    %rem3A_20 = arith.remsi %arg0, %select_n3A_19 : i32
    %ne3A_21 = arith.constant 0 : i32
    %ne3A_22 = arith.cmpi ne, %rem3A_20, %ne3A_21 : i32
    %lt3A = arith.constant 0 : i32
    %lt3A_23 = arith.cmpi slt, %rem3A_20, %lt3A : i32
    %lt3A_24 = arith.constant 0 : i32
    %lt3A_25 = arith.cmpi slt, %select_n3A_19, %lt3A_24 : i32
    %ne3A_26 = arith.xori %lt3A_23, %lt3A_25 : i1
    %and3A_27 = arith.andi %ne3A_26, %ne3A_22 : i1
    %add3A = arith.addi %rem3A_20, %select_n3A_19 : i32
    %select_n3A_28 = arith.select %and3A_27, %add3A, %rem3A_20 : i32
    %c0_i32 = arith.constant 0 : i32
    %c0_i32_29 = arith.constant 0 : i32
    return %select_n3A, %select_n3A_28, %c0_i32 : i32, i32, i32
  }
  func.func @transform_8(%arg0: i32) -> (i32, i32) {
    %c0_i32 = arith.constant 0 : i32
    %c0_i32_0 = arith.constant 0 : i32
    %c0_i32_1 = arith.constant 0 : i32
    return %c0_i32, %c0_i32_0 : i32, i32
  }
  func.func @transform_9(%arg0: i32) -> (i32, i32, i32) {
    %jit3A = arith.constant 2 : i32
    %div3A = arith.divsi %arg0, %jit3A : i32
    %sign3A = arith.constant 0 : i32
    %sign3A_0 = arith.cmpi sgt, %arg0, %sign3A : i32
    %sign3A_1 = arith.extui %sign3A_0 : i1 to i32
    %sign3A_2 = arith.constant 0 : i32
    %sign3A_3 = arith.cmpi slt, %arg0, %sign3A_2 : i32
    %sign3A_4 = arith.extui %sign3A_3 : i1 to i32
    %sign3A_5 = arith.subi %sign3A_1, %sign3A_4 : i32
    %sign3A_6 = arith.constant 0 : i32
    %sign3A_7 = arith.cmpi sgt, %jit3A, %sign3A_6 : i32
    %sign3A_8 = arith.extui %sign3A_7 : i1 to i32
    %sign3A_9 = arith.constant 0 : i32
    %sign3A_10 = arith.cmpi slt, %jit3A, %sign3A_9 : i32
    %sign3A_11 = arith.extui %sign3A_10 : i1 to i32
    %sign3A_12 = arith.subi %sign3A_8, %sign3A_11 : i32
    %ne3A = arith.cmpi ne, %sign3A_5, %sign3A_12 : i32
    %rem3A = arith.remsi %arg0, %jit3A : i32
    %ne3A_13 = arith.constant 0 : i32
    %ne3A_14 = arith.cmpi ne, %rem3A, %ne3A_13 : i32
    %and3A = arith.andi %ne3A, %ne3A_14 : i1
    %sub3A = arith.constant 1 : i32
    %sub3A_15 = arith.subi %div3A, %sub3A : i32
    %select_n3A = arith.select %and3A, %sub3A_15, %div3A : i32
    %jit3A_16 = arith.constant 2 : i32
    %eq3A = arith.constant 0 : i32
    %eq3A_17 = arith.cmpi eq, %jit3A_16, %eq3A : i32
    %jit3A_18 = arith.constant 1 : i32
    %select_n3A_19 = arith.select %eq3A_17, %jit3A_18, %jit3A_16 : i32
    %rem3A_20 = arith.remsi %arg0, %select_n3A_19 : i32
    %ne3A_21 = arith.constant 0 : i32
    %ne3A_22 = arith.cmpi ne, %rem3A_20, %ne3A_21 : i32
    %lt3A = arith.constant 0 : i32
    %lt3A_23 = arith.cmpi slt, %rem3A_20, %lt3A : i32
    %lt3A_24 = arith.constant 0 : i32
    %lt3A_25 = arith.cmpi slt, %select_n3A_19, %lt3A_24 : i32
    %ne3A_26 = arith.xori %lt3A_23, %lt3A_25 : i1
    %and3A_27 = arith.andi %ne3A_26, %ne3A_22 : i1
    %add3A = arith.addi %rem3A_20, %select_n3A_19 : i32
    %select_n3A_28 = arith.select %and3A_27, %add3A, %rem3A_20 : i32
    %c0_i32 = arith.constant 0 : i32
    %c0_i32_29 = arith.constant 0 : i32
    return %select_n3A, %select_n3A_28, %c0_i32 : i32, i32, i32
  }
  func.func @transform_10(%arg0: i32) -> (i32, i32, i32) {
    %jit3A = arith.constant 2 : i32
    %div3A = arith.divsi %arg0, %jit3A : i32
    %sign3A = arith.constant 0 : i32
    %sign3A_0 = arith.cmpi sgt, %arg0, %sign3A : i32
    %sign3A_1 = arith.extui %sign3A_0 : i1 to i32
    %sign3A_2 = arith.constant 0 : i32
    %sign3A_3 = arith.cmpi slt, %arg0, %sign3A_2 : i32
    %sign3A_4 = arith.extui %sign3A_3 : i1 to i32
    %sign3A_5 = arith.subi %sign3A_1, %sign3A_4 : i32
    %sign3A_6 = arith.constant 0 : i32
    %sign3A_7 = arith.cmpi sgt, %jit3A, %sign3A_6 : i32
    %sign3A_8 = arith.extui %sign3A_7 : i1 to i32
    %sign3A_9 = arith.constant 0 : i32
    %sign3A_10 = arith.cmpi slt, %jit3A, %sign3A_9 : i32
    %sign3A_11 = arith.extui %sign3A_10 : i1 to i32
    %sign3A_12 = arith.subi %sign3A_8, %sign3A_11 : i32
    %ne3A = arith.cmpi ne, %sign3A_5, %sign3A_12 : i32
    %rem3A = arith.remsi %arg0, %jit3A : i32
    %ne3A_13 = arith.constant 0 : i32
    %ne3A_14 = arith.cmpi ne, %rem3A, %ne3A_13 : i32
    %and3A = arith.andi %ne3A, %ne3A_14 : i1
    %sub3A = arith.constant 1 : i32
    %sub3A_15 = arith.subi %div3A, %sub3A : i32
    %select_n3A = arith.select %and3A, %sub3A_15, %div3A : i32
    %jit3A_16 = arith.constant 2 : i32
    %eq3A = arith.constant 0 : i32
    %eq3A_17 = arith.cmpi eq, %jit3A_16, %eq3A : i32
    %jit3A_18 = arith.constant 1 : i32
    %select_n3A_19 = arith.select %eq3A_17, %jit3A_18, %jit3A_16 : i32
    %rem3A_20 = arith.remsi %arg0, %select_n3A_19 : i32
    %ne3A_21 = arith.constant 0 : i32
    %ne3A_22 = arith.cmpi ne, %rem3A_20, %ne3A_21 : i32
    %lt3A = arith.constant 0 : i32
    %lt3A_23 = arith.cmpi slt, %rem3A_20, %lt3A : i32
    %lt3A_24 = arith.constant 0 : i32
    %lt3A_25 = arith.cmpi slt, %select_n3A_19, %lt3A_24 : i32
    %ne3A_26 = arith.xori %lt3A_23, %lt3A_25 : i1
    %and3A_27 = arith.andi %ne3A_26, %ne3A_22 : i1
    %add3A = arith.addi %rem3A_20, %select_n3A_19 : i32
    %select_n3A_28 = arith.select %and3A_27, %add3A, %rem3A_20 : i32
    %c0_i32 = arith.constant 0 : i32
    %c0_i32_29 = arith.constant 0 : i32
    return %select_n3A, %select_n3A_28, %c0_i32 : i32, i32, i32
  }
  func.func @transform_11(%arg0: i32) -> (i32, i32, i32) {
    %jit3A = arith.constant 2 : i32
    %div3A = arith.divsi %arg0, %jit3A : i32
    %sign3A = arith.constant 0 : i32
    %sign3A_0 = arith.cmpi sgt, %arg0, %sign3A : i32
    %sign3A_1 = arith.extui %sign3A_0 : i1 to i32
    %sign3A_2 = arith.constant 0 : i32
    %sign3A_3 = arith.cmpi slt, %arg0, %sign3A_2 : i32
    %sign3A_4 = arith.extui %sign3A_3 : i1 to i32
    %sign3A_5 = arith.subi %sign3A_1, %sign3A_4 : i32
    %sign3A_6 = arith.constant 0 : i32
    %sign3A_7 = arith.cmpi sgt, %jit3A, %sign3A_6 : i32
    %sign3A_8 = arith.extui %sign3A_7 : i1 to i32
    %sign3A_9 = arith.constant 0 : i32
    %sign3A_10 = arith.cmpi slt, %jit3A, %sign3A_9 : i32
    %sign3A_11 = arith.extui %sign3A_10 : i1 to i32
    %sign3A_12 = arith.subi %sign3A_8, %sign3A_11 : i32
    %ne3A = arith.cmpi ne, %sign3A_5, %sign3A_12 : i32
    %rem3A = arith.remsi %arg0, %jit3A : i32
    %ne3A_13 = arith.constant 0 : i32
    %ne3A_14 = arith.cmpi ne, %rem3A, %ne3A_13 : i32
    %and3A = arith.andi %ne3A, %ne3A_14 : i1
    %sub3A = arith.constant 1 : i32
    %sub3A_15 = arith.subi %div3A, %sub3A : i32
    %select_n3A = arith.select %and3A, %sub3A_15, %div3A : i32
    %jit3A_16 = arith.constant 2 : i32
    %eq3A = arith.constant 0 : i32
    %eq3A_17 = arith.cmpi eq, %jit3A_16, %eq3A : i32
    %jit3A_18 = arith.constant 1 : i32
    %select_n3A_19 = arith.select %eq3A_17, %jit3A_18, %jit3A_16 : i32
    %rem3A_20 = arith.remsi %arg0, %select_n3A_19 : i32
    %ne3A_21 = arith.constant 0 : i32
    %ne3A_22 = arith.cmpi ne, %rem3A_20, %ne3A_21 : i32
    %lt3A = arith.constant 0 : i32
    %lt3A_23 = arith.cmpi slt, %rem3A_20, %lt3A : i32
    %lt3A_24 = arith.constant 0 : i32
    %lt3A_25 = arith.cmpi slt, %select_n3A_19, %lt3A_24 : i32
    %ne3A_26 = arith.xori %lt3A_23, %lt3A_25 : i1
    %and3A_27 = arith.andi %ne3A_26, %ne3A_22 : i1
    %add3A = arith.addi %rem3A_20, %select_n3A_19 : i32
    %select_n3A_28 = arith.select %and3A_27, %add3A, %rem3A_20 : i32
    %c0_i32 = arith.constant 0 : i32
    %c0_i32_29 = arith.constant 0 : i32
    return %select_n3A, %select_n3A_28, %c0_i32 : i32, i32, i32
  }
  func.func @transform_12(%arg0: i32) -> (i32, i32, i32) {
    %c0_i32 = arith.constant 0 : i32
    %c0_i32_0 = arith.constant 0 : i32
    %c0_i32_1 = arith.constant 0 : i32
    return %arg0, %c0_i32, %c0_i32_0 : i32, i32, i32
  }
  func.func @transform_13(%arg0: i32) -> (i32, i32) {
    %c0_i32 = arith.constant 0 : i32
    %c0_i32_0 = arith.constant 0 : i32
    %c0_i32_1 = arith.constant 0 : i32
    return %c0_i32, %c0_i32_0 : i32, i32
  }
}

module attributes {stable_mosaic.version = 14 : i64} {
  func.func @_dec2_body(%arg0: i32, %arg1: memref<16x1024xf32, #tpu.memory_space<vmem>>, %arg2: memref<1024x2048xf32, #tpu.memory_space<vmem>>, %arg3: memref<1x2048xf32, #tpu.memory_space<vmem>>, %arg4: memref<16x2048xf32, #tpu.memory_space<vmem>>) attributes {dimension_semantics = [#tpu.dimension_semantics<arbitrary>], iteration_bounds = array<i64: 36>, scalar_prefetch = 0 : i64, scratch_operands = 0 : i64, tpu.core_type = #tpu.core_type<tc>, window_params = [{pipeline_mode = #tpu.pipeline_mode<synchronous>, transform_indices = @transform_0, window_bounds = array<i64: 16, 1024>}, {transform_indices = @transform_1, window_bounds = array<i64: 1024, 2048>}, {transform_indices = @transform_2, window_bounds = array<i64: 1, 2048>}, {transform_indices = @transform_3, window_bounds = array<i64: 16, 2048>}]} {
    %get3A = arith.constant 0 : index
    %get3A_0 = arith.constant 0 : index
    %get3A_1 = vector.load %arg1[%get3A, %get3A_0] : memref<16x1024xf32, #tpu.memory_space<vmem>>, vector<16x1024xf32>
    %get3A_2 = arith.constant 0 : index
    %get3A_3 = arith.constant 0 : index
    %get3A_4 = vector.load %arg2[%get3A_2, %get3A_3] : memref<1024x2048xf32, #tpu.memory_space<vmem>>, vector<1024x2048xf32>
    %dot_general3A = arith.constant dense<0.000000e+00> : vector<16x2048xf32>
    %dot_general3A_5 = tpu.matmul %get3A_1, %get3A_4, %dot_general3A {dimension_numbers = #tpu.dot_dimension_numbers<[1], [0], [0], [1], [0, 0, 1, 1], [], []>, transpose_lhs_hint = false} : vector<16x1024xf32>, vector<1024x2048xf32>, vector<16x2048xf32> -> vector<16x2048xf32>
    %get3A_6 = arith.constant 0 : index
    %get3A_7 = arith.constant 0 : index
    %get3A_8 = vector.load %arg3[%get3A_6, %get3A_7] : memref<1x2048xf32, #tpu.memory_space<vmem>>, vector<1x2048xf32>
    %add3A = vector.broadcast %get3A_8 : vector<1x2048xf32> to vector<16x2048xf32>
    %add3A_9 = arith.addf %dot_general3A_5, %add3A : vector<16x2048xf32>
    %max3A = arith.constant 0.000000e+00 : f32
    %max3A_10 = vector.broadcast %max3A : f32 to vector<16x2048xf32>
    %max3A_11 = arith.maximumf %add3A_9, %max3A_10 : vector<16x2048xf32>
    %abs3A = math.absf %add3A_9 : vector<16x2048xf32>
    %neg3A = arith.constant 0.000000e+00 : f32
    %neg3A_12 = vector.broadcast %neg3A : f32 to vector<16x2048xf32>
    %neg3A_13 = arith.subf %neg3A_12, %abs3A : vector<16x2048xf32>
    %exp3A = math.exp %neg3A_13 : vector<16x2048xf32>
    %add3A_14 = arith.constant 1.000000e+00 : f32
    %add3A_15 = vector.broadcast %add3A_14 : f32 to vector<16x2048xf32>
    %add3A_16 = arith.addf %add3A_15, %exp3A : vector<16x2048xf32>
    %log3A = math.log %add3A_16 : vector<16x2048xf32>
    %add3A_17 = arith.addf %max3A_11, %log3A : vector<16x2048xf32>
    %swap3A = arith.constant 0 : index
    %swap3A_18 = arith.constant 0 : index
    %swap3A_19 = vector.load %arg4[%swap3A, %swap3A_18] : memref<16x2048xf32, #tpu.memory_space<vmem>>, vector<16x2048xf32>
    tpu.vector_store %arg4[%swap3A, %swap3A_18], %add3A_17 {strides = array<i32>} : memref<16x2048xf32, #tpu.memory_space<vmem>>, vector<16x2048xf32>,
    return
  }
  func.func @transform_0(%arg0: i32) -> (i32, i32) {
    %c0_i32 = arith.constant 0 : i32
    %c0_i32_0 = arith.constant 0 : i32
    %c0_i32_1 = arith.constant 0 : i32
    return %c0_i32, %c0_i32_0 : i32, i32
  }
  func.func @transform_1(%arg0: i32) -> (i32, i32) {
    %c0_i32 = arith.constant 0 : i32
    %c0_i32_0 = arith.constant 0 : i32
    return %c0_i32, %arg0 : i32, i32
  }
  func.func @transform_2(%arg0: i32) -> (i32, i32) {
    %c0_i32 = arith.constant 0 : i32
    %c0_i32_0 = arith.constant 0 : i32
    return %c0_i32, %arg0 : i32, i32
  }
  func.func @transform_3(%arg0: i32) -> (i32, i32) {
    %c0_i32 = arith.constant 0 : i32
    %c0_i32_0 = arith.constant 0 : i32
    return %c0_i32, %arg0 : i32, i32
  }
}

module attributes {stable_mosaic.version = 14 : i64} {
  func.func @_dec1_body(%arg0: i32, %arg1: memref<16x64x128xf32, #tpu.memory_space<vmem>>, %arg2: memref<16x64x32xf32, #tpu.memory_space<vmem>>, %arg3: memref<2048x512xf32, #tpu.memory_space<vmem>>, %arg4: memref<1x512xf32, #tpu.memory_space<vmem>>, %arg5: memref<512x1024xf32, #tpu.memory_space<vmem>>, %arg6: memref<1x1024xf32, #tpu.memory_space<vmem>>, %arg7: memref<16x1024xf32, #tpu.memory_space<vmem>>, %arg8: memref<1x1xf32, #tpu.memory_space<smem>>, %arg9: memref<16x512xf32, #tpu.memory_space<vmem>>) attributes {dimension_semantics = [#tpu.dimension_semantics<arbitrary>], iteration_bounds = array<i64: 9>, scalar_prefetch = 0 : i64, scratch_operands = 1 : i64, tpu.core_type = #tpu.core_type<tc>, window_params = [{transform_indices = @transform_0, window_bounds = array<i64: 16, 64, 128>}, {transform_indices = @transform_1, window_bounds = array<i64: 16, 64, 32>}, {transform_indices = @transform_2, window_bounds = array<i64: 2048, 512>}, {pipeline_mode = #tpu.pipeline_mode<synchronous>, transform_indices = @transform_3, window_bounds = array<i64: 1, 512>}, {pipeline_mode = #tpu.pipeline_mode<synchronous>, transform_indices = @transform_4, window_bounds = array<i64: 512, 1024>}, {pipeline_mode = #tpu.pipeline_mode<synchronous>, transform_indices = @transform_5, window_bounds = array<i64: 1, 1024>}, {pipeline_mode = #tpu.pipeline_mode<synchronous>, transform_indices = @transform_6, window_bounds = array<i64: 16, 1024>}, {transform_indices = @transform_7, window_bounds = array<i64: 1, 1>}]} {
    %eq3A = arith.constant 0 : i32
    %eq3A_0 = arith.cmpi eq, %arg0, %eq3A : i32
    %convert_element_type3A = arith.extui %eq3A_0 : i1 to i32
    %cond3A = arith.constant 0 : i32
    %cond3A_1 = arith.cmpi ne, %convert_element_type3A, %cond3A : i32
    scf.if %cond3A_1 {
      %broadcast_in_dim3A_1238 = arith.constant 0.000000e+00 : f32
      %broadcast_in_dim3A_1239 = vector.broadcast %broadcast_in_dim3A_1238 : f32 to vector<16x512xf32>
      %swap3A_1240 = arith.constant 0 : index
      %swap3A_1241 = arith.constant 0 : index
      %swap3A_1242 = vector.load %arg9[%swap3A_1240, %swap3A_1241] : memref<16x512xf32, #tpu.memory_space<vmem>>, vector<16x512xf32>
      tpu.vector_store %arg9[%swap3A_1240, %swap3A_1241], %broadcast_in_dim3A_1239 {strides = array<i32>} : memref<16x512xf32, #tpu.memory_space<vmem>>, vector<16x512xf32>,
      %swap3A_1243 = arith.constant 0.000000e+00 : f32
      %swap3A_1244 = arith.constant 0 : index
      %swap3A_1245 = arith.constant 0 : index
      %swap3A_1246 = memref.load %arg8[%swap3A_1244, %swap3A_1245] : memref<1x1xf32, #tpu.memory_space<smem>>
      memref.store %swap3A_1243, %arg8[%swap3A_1244, %swap3A_1245] : memref<1x1xf32, #tpu.memory_space<smem>>
    } else {
    }
    %broadcast_in_dim3A = arith.constant 0.000000e+00 : f32
    %broadcast_in_dim3A_2 = vector.broadcast %broadcast_in_dim3A : f32 to vector<16x512xf32>
    %broadcast_in_dim3A_3 = arith.constant 0.000000e+00 : f32
    %broadcast_in_dim3A_4 = vector.broadcast %broadcast_in_dim3A_3 : f32 to vector<16x32xf32>
    %get3A = arith.constant 0 : index
    %get3A_5 = arith.constant 0 : index
    %get3A_6 = arith.constant 0 : index
    %get3A_7 = vector.load %arg1[%get3A, %get3A_5, %get3A_6] : memref<16x64x128xf32, #tpu.memory_space<vmem>>, vector<16x1x32xf32>
    %get3A_8 = vector.shape_cast %get3A_7 : vector<16x1x32xf32> to vector<16x32xf32>
    %get3A_9 = arith.constant 0 : index
    %get3A_10 = arith.constant 0 : index
    %get3A_11 = vector.load %arg3[%get3A_9, %get3A_10] : memref<2048x512xf32, #tpu.memory_space<vmem>>, vector<32x512xf32>
    %dot_general3A = arith.constant dense<0.000000e+00> : vector<16x512xf32>
    %dot_general3A_12 = tpu.matmul %get3A_8, %get3A_11, %dot_general3A {dimension_numbers = #tpu.dot_dimension_numbers<[1], [0], [0], [1], [0, 0, 1, 1], [], []>, transpose_lhs_hint = false} : vector<16x32xf32>, vector<32x512xf32>, vector<16x512xf32> -> vector<16x512xf32>
    %add3A = arith.addf %broadcast_in_dim3A_2, %dot_general3A_12 : vector<16x512xf32>
    %get3A_13 = arith.constant 0 : index
    %get3A_14 = arith.constant 0 : index
    %get3A_15 = arith.constant 0 : index
    %get3A_16 = vector.load %arg2[%get3A_13, %get3A_14, %get3A_15] : memref<16x64x32xf32, #tpu.memory_space<vmem>>, vector<16x1x32xf32>
    %get3A_17 = vector.shape_cast %get3A_16 : vector<16x1x32xf32> to vector<16x32xf32>
    %sub3A = arith.subf %get3A_8, %get3A_17 : vector<16x32xf32>
    %mul3A = arith.mulf %sub3A, %sub3A : vector<16x32xf32>
    %add3A_18 = arith.addf %broadcast_in_dim3A_4, %mul3A : vector<16x32xf32>
    %get3A_19 = arith.constant 0 : index
    %get3A_20 = arith.constant 1 : index
    %get3A_21 = arith.constant 0 : index
    %get3A_22 = vector.load %arg1[%get3A_19, %get3A_20, %get3A_21] : memref<16x64x128xf32, #tpu.memory_space<vmem>>, vector<16x1x32xf32>
    %get3A_23 = vector.shape_cast %get3A_22 : vector<16x1x32xf32> to vector<16x32xf32>
    %get3A_24 = arith.constant 32 : index
    %get3A_25 = arith.constant 0 : index
    %get3A_26 = vector.load %arg3[%get3A_24, %get3A_25] : memref<2048x512xf32, #tpu.memory_space<vmem>>, vector<32x512xf32>
    %dot_general3A_27 = arith.constant dense<0.000000e+00> : vector<16x512xf32>
    %dot_general3A_28 = tpu.matmul %get3A_23, %get3A_26, %dot_general3A_27 {dimension_numbers = #tpu.dot_dimension_numbers<[1], [0], [0], [1], [0, 0, 1, 1], [], []>, transpose_lhs_hint = false} : vector<16x32xf32>, vector<32x512xf32>, vector<16x512xf32> -> vector<16x512xf32>
    %add3A_29 = arith.addf %add3A, %dot_general3A_28 : vector<16x512xf32>
    %get3A_30 = arith.constant 0 : index
    %get3A_31 = arith.constant 1 : index
    %get3A_32 = arith.constant 0 : index
    %get3A_33 = vector.load %arg2[%get3A_30, %get3A_31, %get3A_32] : memref<16x64x32xf32, #tpu.memory_space<vmem>>, vector<16x1x32xf32>
    %get3A_34 = vector.shape_cast %get3A_33 : vector<16x1x32xf32> to vector<16x32xf32>
    %sub3A_35 = arith.subf %get3A_23, %get3A_34 : vector<16x32xf32>
    %mul3A_36 = arith.mulf %sub3A_35, %sub3A_35 : vector<16x32xf32>
    %add3A_37 = arith.addf %add3A_18, %mul3A_36 : vector<16x32xf32>
    %get3A_38 = arith.constant 0 : index
    %get3A_39 = arith.constant 2 : index
    %get3A_40 = arith.constant 0 : index
    %get3A_41 = vector.load %arg1[%get3A_38, %get3A_39, %get3A_40] : memref<16x64x128xf32, #tpu.memory_space<vmem>>, vector<16x1x32xf32>
    %get3A_42 = vector.shape_cast %get3A_41 : vector<16x1x32xf32> to vector<16x32xf32>
    %get3A_43 = arith.constant 64 : index
    %get3A_44 = arith.constant 0 : index
    %get3A_45 = vector.load %arg3[%get3A_43, %get3A_44] : memref<2048x512xf32, #tpu.memory_space<vmem>>, vector<32x512xf32>
    %dot_general3A_46 = arith.constant dense<0.000000e+00> : vector<16x512xf32>
    %dot_general3A_47 = tpu.matmul %get3A_42, %get3A_45, %dot_general3A_46 {dimension_numbers = #tpu.dot_dimension_numbers<[1], [0], [0], [1], [0, 0, 1, 1], [], []>, transpose_lhs_hint = false} : vector<16x32xf32>, vector<32x512xf32>, vector<16x512xf32> -> vector<16x512xf32>
    %add3A_48 = arith.addf %add3A_29, %dot_general3A_47 : vector<16x512xf32>
    %get3A_49 = arith.constant 0 : index
    %get3A_50 = arith.constant 2 : index
    %get3A_51 = arith.constant 0 : index
    %get3A_52 = vector.load %arg2[%get3A_49, %get3A_50, %get3A_51] : memref<16x64x32xf32, #tpu.memory_space<vmem>>, vector<16x1x32xf32>
    %get3A_53 = vector.shape_cast %get3A_52 : vector<16x1x32xf32> to vector<16x32xf32>
    %sub3A_54 = arith.subf %get3A_42, %get3A_53 : vector<16x32xf32>
    %mul3A_55 = arith.mulf %sub3A_54, %sub3A_54 : vector<16x32xf32>
    %add3A_56 = arith.addf %add3A_37, %mul3A_55 : vector<16x32xf32>
    %get3A_57 = arith.constant 0 : index
    %get3A_58 = arith.constant 3 : index
    %get3A_59 = arith.constant 0 : index
    %get3A_60 = vector.load %arg1[%get3A_57, %get3A_58, %get3A_59] : memref<16x64x128xf32, #tpu.memory_space<vmem>>, vector<16x1x32xf32>
    %get3A_61 = vector.shape_cast %get3A_60 : vector<16x1x32xf32> to vector<16x32xf32>
    %get3A_62 = arith.constant 96 : index
    %get3A_63 = arith.constant 0 : index
    %get3A_64 = vector.load %arg3[%get3A_62, %get3A_63] : memref<2048x512xf32, #tpu.memory_space<vmem>>, vector<32x512xf32>
    %dot_general3A_65 = arith.constant dense<0.000000e+00> : vector<16x512xf32>
    %dot_general3A_66 = tpu.matmul %get3A_61, %get3A_64, %dot_general3A_65 {dimension_numbers = #tpu.dot_dimension_numbers<[1], [0], [0], [1], [0, 0, 1, 1], [], []>, transpose_lhs_hint = false} : vector<16x32xf32>, vector<32x512xf32>, vector<16x512xf32> -> vector<16x512xf32>
    %add3A_67 = arith.addf %add3A_48, %dot_general3A_66 : vector<16x512xf32>
    %get3A_68 = arith.constant 0 : index
    %get3A_69 = arith.constant 3 : index
    %get3A_70 = arith.constant 0 : index
    %get3A_71 = vector.load %arg2[%get3A_68, %get3A_69, %get3A_70] : memref<16x64x32xf32, #tpu.memory_space<vmem>>, vector<16x1x32xf32>
    %get3A_72 = vector.shape_cast %get3A_71 : vector<16x1x32xf32> to vector<16x32xf32>
    %sub3A_73 = arith.subf %get3A_61, %get3A_72 : vector<16x32xf32>
    %mul3A_74 = arith.mulf %sub3A_73, %sub3A_73 : vector<16x32xf32>
    %add3A_75 = arith.addf %add3A_56, %mul3A_74 : vector<16x32xf32>
    %get3A_76 = arith.constant 0 : index
    %get3A_77 = arith.constant 4 : index
    %get3A_78 = arith.constant 0 : index
    %get3A_79 = vector.load %arg1[%get3A_76, %get3A_77, %get3A_78] : memref<16x64x128xf32, #tpu.memory_space<vmem>>, vector<16x1x32xf32>
    %get3A_80 = vector.shape_cast %get3A_79 : vector<16x1x32xf32> to vector<16x32xf32>
    %get3A_81 = arith.constant 128 : index
    %get3A_82 = arith.constant 0 : index
    %get3A_83 = vector.load %arg3[%get3A_81, %get3A_82] : memref<2048x512xf32, #tpu.memory_space<vmem>>, vector<32x512xf32>
    %dot_general3A_84 = arith.constant dense<0.000000e+00> : vector<16x512xf32>
    %dot_general3A_85 = tpu.matmul %get3A_80, %get3A_83, %dot_general3A_84 {dimension_numbers = #tpu.dot_dimension_numbers<[1], [0], [0], [1], [0, 0, 1, 1], [], []>, transpose_lhs_hint = false} : vector<16x32xf32>, vector<32x512xf32>, vector<16x512xf32> -> vector<16x512xf32>
    %add3A_86 = arith.addf %add3A_67, %dot_general3A_85 : vector<16x512xf32>
    %get3A_87 = arith.constant 0 : index
    %get3A_88 = arith.constant 4 : index
    %get3A_89 = arith.constant 0 : index
    %get3A_90 = vector.load %arg2[%get3A_87, %get3A_88, %get3A_89] : memref<16x64x32xf32, #tpu.memory_space<vmem>>, vector<16x1x32xf32>
    %get3A_91 = vector.shape_cast %get3A_90 : vector<16x1x32xf32> to vector<16x32xf32>
    %sub3A_92 = arith.subf %get3A_80, %get3A_91 : vector<16x32xf32>
    %mul3A_93 = arith.mulf %sub3A_92, %sub3A_92 : vector<16x32xf32>
    %add3A_94 = arith.addf %add3A_75, %mul3A_93 : vector<16x32xf32>
    %get3A_95 = arith.constant 0 : index
    %get3A_96 = arith.constant 5 : index
    %get3A_97 = arith.constant 0 : index
    %get3A_98 = vector.load %arg1[%get3A_95, %get3A_96, %get3A_97] : memref<16x64x128xf32, #tpu.memory_space<vmem>>, vector<16x1x32xf32>
    %get3A_99 = vector.shape_cast %get3A_98 : vector<16x1x32xf32> to vector<16x32xf32>
    %get3A_100 = arith.constant 160 : index
    %get3A_101 = arith.constant 0 : index
    %get3A_102 = vector.load %arg3[%get3A_100, %get3A_101] : memref<2048x512xf32, #tpu.memory_space<vmem>>, vector<32x512xf32>
    %dot_general3A_103 = arith.constant dense<0.000000e+00> : vector<16x512xf32>
    %dot_general3A_104 = tpu.matmul %get3A_99, %get3A_102, %dot_general3A_103 {dimension_numbers = #tpu.dot_dimension_numbers<[1], [0], [0], [1], [0, 0, 1, 1], [], []>, transpose_lhs_hint = false} : vector<16x32xf32>, vector<32x512xf32>, vector<16x512xf32> -> vector<16x512xf32>
    %add3A_105 = arith.addf %add3A_86, %dot_general3A_104 : vector<16x512xf32>
    %get3A_106 = arith.constant 0 : index
    %get3A_107 = arith.constant 5 : index
    %get3A_108 = arith.constant 0 : index
    %get3A_109 = vector.load %arg2[%get3A_106, %get3A_107, %get3A_108] : memref<16x64x32xf32, #tpu.memory_space<vmem>>, vector<16x1x32xf32>
    %get3A_110 = vector.shape_cast %get3A_109 : vector<16x1x32xf32> to vector<16x32xf32>
    %sub3A_111 = arith.subf %get3A_99, %get3A_110 : vector<16x32xf32>
    %mul3A_112 = arith.mulf %sub3A_111, %sub3A_111 : vector<16x32xf32>
    %add3A_113 = arith.addf %add3A_94, %mul3A_112 : vector<16x32xf32>
    %get3A_114 = arith.constant 0 : index
    %get3A_115 = arith.constant 6 : index
    %get3A_116 = arith.constant 0 : index
    %get3A_117 = vector.load %arg1[%get3A_114, %get3A_115, %get3A_116] : memref<16x64x128xf32, #tpu.memory_space<vmem>>, vector<16x1x32xf32>
    %get3A_118 = vector.shape_cast %get3A_117 : vector<16x1x32xf32> to vector<16x32xf32>
    %get3A_119 = arith.constant 192 : index
    %get3A_120 = arith.constant 0 : index
    %get3A_121 = vector.load %arg3[%get3A_119, %get3A_120] : memref<2048x512xf32, #tpu.memory_space<vmem>>, vector<32x512xf32>
    %dot_general3A_122 = arith.constant dense<0.000000e+00> : vector<16x512xf32>
    %dot_general3A_123 = tpu.matmul %get3A_118, %get3A_121, %dot_general3A_122 {dimension_numbers = #tpu.dot_dimension_numbers<[1], [0], [0], [1], [0, 0, 1, 1], [], []>, transpose_lhs_hint = false} : vector<16x32xf32>, vector<32x512xf32>, vector<16x512xf32> -> vector<16x512xf32>
    %add3A_124 = arith.addf %add3A_105, %dot_general3A_123 : vector<16x512xf32>
    %get3A_125 = arith.constant 0 : index
    %get3A_126 = arith.constant 6 : index
    %get3A_127 = arith.constant 0 : index
    %get3A_128 = vector.load %arg2[%get3A_125, %get3A_126, %get3A_127] : memref<16x64x32xf32, #tpu.memory_space<vmem>>, vector<16x1x32xf32>
    %get3A_129 = vector.shape_cast %get3A_128 : vector<16x1x32xf32> to vector<16x32xf32>
    %sub3A_130 = arith.subf %get3A_118, %get3A_129 : vector<16x32xf32>
    %mul3A_131 = arith.mulf %sub3A_130, %sub3A_130 : vector<16x32xf32>
    %add3A_132 = arith.addf %add3A_113, %mul3A_131 : vector<16x32xf32>
    %get3A_133 = arith.constant 0 : index
    %get3A_134 = arith.constant 7 : index
    %get3A_135 = arith.constant 0 : index
    %get3A_136 = vector.load %arg1[%get3A_133, %get3A_134, %get3A_135] : memref<16x64x128xf32, #tpu.memory_space<vmem>>, vector<16x1x32xf32>
    %get3A_137 = vector.shape_cast %get3A_136 : vector<16x1x32xf32> to vector<16x32xf32>
    %get3A_138 = arith.constant 224 : index
    %get3A_139 = arith.constant 0 : index
    %get3A_140 = vector.load %arg3[%get3A_138, %get3A_139] : memref<2048x512xf32, #tpu.memory_space<vmem>>, vector<32x512xf32>
    %dot_general3A_141 = arith.constant dense<0.000000e+00> : vector<16x512xf32>
    %dot_general3A_142 = tpu.matmul %get3A_137, %get3A_140, %dot_general3A_141 {dimension_numbers = #tpu.dot_dimension_numbers<[1], [0], [0], [1], [0, 0, 1, 1], [], []>, transpose_lhs_hint = false} : vector<16x32xf32>, vector<32x512xf32>, vector<16x512xf32> -> vector<16x512xf32>
    %add3A_143 = arith.addf %add3A_124, %dot_general3A_142 : vector<16x512xf32>
    %get3A_144 = arith.constant 0 : index
    %get3A_145 = arith.constant 7 : index
    %get3A_146 = arith.constant 0 : index
    %get3A_147 = vector.load %arg2[%get3A_144, %get3A_145, %get3A_146] : memref<16x64x32xf32, #tpu.memory_space<vmem>>, vector<16x1x32xf32>
    %get3A_148 = vector.shape_cast %get3A_147 : vector<16x1x32xf32> to vector<16x32xf32>
    %sub3A_149 = arith.subf %get3A_137, %get3A_148 : vector<16x32xf32>
    %mul3A_150 = arith.mulf %sub3A_149, %sub3A_149 : vector<16x32xf32>
    %add3A_151 = arith.addf %add3A_132, %mul3A_150 : vector<16x32xf32>
    %get3A_152 = arith.constant 0 : index
    %get3A_153 = arith.constant 8 : index
    %get3A_154 = arith.constant 0 : index
    %get3A_155 = vector.load %arg1[%get3A_152, %get3A_153, %get3A_154] : memref<16x64x128xf32, #tpu.memory_space<vmem>>, vector<16x1x32xf32>
    %get3A_156 = vector.shape_cast %get3A_155 : vector<16x1x32xf32> to vector<16x32xf32>
    %get3A_157 = arith.constant 256 : index
    %get3A_158 = arith.constant 0 : index
    %get3A_159 = vector.load %arg3[%get3A_157, %get3A_158] : memref<2048x512xf32, #tpu.memory_space<vmem>>, vector<32x512xf32>
    %dot_general3A_160 = arith.constant dense<0.000000e+00> : vector<16x512xf32>
    %dot_general3A_161 = tpu.matmul %get3A_156, %get3A_159, %dot_general3A_160 {dimension_numbers = #tpu.dot_dimension_numbers<[1], [0], [0], [1], [0, 0, 1, 1], [], []>, transpose_lhs_hint = false} : vector<16x32xf32>, vector<32x512xf32>, vector<16x512xf32> -> vector<16x512xf32>
    %add3A_162 = arith.addf %add3A_143, %dot_general3A_161 : vector<16x512xf32>
    %get3A_163 = arith.constant 0 : index
    %get3A_164 = arith.constant 8 : index
    %get3A_165 = arith.constant 0 : index
    %get3A_166 = vector.load %arg2[%get3A_163, %get3A_164, %get3A_165] : memref<16x64x32xf32, #tpu.memory_space<vmem>>, vector<16x1x32xf32>
    %get3A_167 = vector.shape_cast %get3A_166 : vector<16x1x32xf32> to vector<16x32xf32>
    %sub3A_168 = arith.subf %get3A_156, %get3A_167 : vector<16x32xf32>
    %mul3A_169 = arith.mulf %sub3A_168, %sub3A_168 : vector<16x32xf32>
    %add3A_170 = arith.addf %add3A_151, %mul3A_169 : vector<16x32xf32>
    %get3A_171 = arith.constant 0 : index
    %get3A_172 = arith.constant 9 : index
    %get3A_173 = arith.constant 0 : index
    %get3A_174 = vector.load %arg1[%get3A_171, %get3A_172, %get3A_173] : memref<16x64x128xf32, #tpu.memory_space<vmem>>, vector<16x1x32xf32>
    %get3A_175 = vector.shape_cast %get3A_174 : vector<16x1x32xf32> to vector<16x32xf32>
    %get3A_176 = arith.constant 288 : index
    %get3A_177 = arith.constant 0 : index
    %get3A_178 = vector.load %arg3[%get3A_176, %get3A_177] : memref<2048x512xf32, #tpu.memory_space<vmem>>, vector<32x512xf32>
    %dot_general3A_179 = arith.constant dense<0.000000e+00> : vector<16x512xf32>
    %dot_general3A_180 = tpu.matmul %get3A_175, %get3A_178, %dot_general3A_179 {dimension_numbers = #tpu.dot_dimension_numbers<[1], [0], [0], [1], [0, 0, 1, 1], [], []>, transpose_lhs_hint = false} : vector<16x32xf32>, vector<32x512xf32>, vector<16x512xf32> -> vector<16x512xf32>
    %add3A_181 = arith.addf %add3A_162, %dot_general3A_180 : vector<16x512xf32>
    %get3A_182 = arith.constant 0 : index
    %get3A_183 = arith.constant 9 : index
    %get3A_184 = arith.constant 0 : index
    %get3A_185 = vector.load %arg2[%get3A_182, %get3A_183, %get3A_184] : memref<16x64x32xf32, #tpu.memory_space<vmem>>, vector<16x1x32xf32>
    %get3A_186 = vector.shape_cast %get3A_185 : vector<16x1x32xf32> to vector<16x32xf32>
    %sub3A_187 = arith.subf %get3A_175, %get3A_186 : vector<16x32xf32>
    %mul3A_188 = arith.mulf %sub3A_187, %sub3A_187 : vector<16x32xf32>
    %add3A_189 = arith.addf %add3A_170, %mul3A_188 : vector<16x32xf32>
    %get3A_190 = arith.constant 0 : index
    %get3A_191 = arith.constant 10 : index
    %get3A_192 = arith.constant 0 : index
    %get3A_193 = vector.load %arg1[%get3A_190, %get3A_191, %get3A_192] : memref<16x64x128xf32, #tpu.memory_space<vmem>>, vector<16x1x32xf32>
    %get3A_194 = vector.shape_cast %get3A_193 : vector<16x1x32xf32> to vector<16x32xf32>
    %get3A_195 = arith.constant 320 : index
    %get3A_196 = arith.constant 0 : index
    %get3A_197 = vector.load %arg3[%get3A_195, %get3A_196] : memref<2048x512xf32, #tpu.memory_space<vmem>>, vector<32x512xf32>
    %dot_general3A_198 = arith.constant dense<0.000000e+00> : vector<16x512xf32>
    %dot_general3A_199 = tpu.matmul %get3A_194, %get3A_197, %dot_general3A_198 {dimension_numbers = #tpu.dot_dimension_numbers<[1], [0], [0], [1], [0, 0, 1, 1], [], []>, transpose_lhs_hint = false} : vector<16x32xf32>, vector<32x512xf32>, vector<16x512xf32> -> vector<16x512xf32>
    %add3A_200 = arith.addf %add3A_181, %dot_general3A_199 : vector<16x512xf32>
    %get3A_201 = arith.constant 0 : index
    %get3A_202 = arith.constant 10 : index
    %get3A_203 = arith.constant 0 : index
    %get3A_204 = vector.load %arg2[%get3A_201, %get3A_202, %get3A_203] : memref<16x64x32xf32, #tpu.memory_space<vmem>>, vector<16x1x32xf32>
    %get3A_205 = vector.shape_cast %get3A_204 : vector<16x1x32xf32> to vector<16x32xf32>
    %sub3A_206 = arith.subf %get3A_194, %get3A_205 : vector<16x32xf32>
    %mul3A_207 = arith.mulf %sub3A_206, %sub3A_206 : vector<16x32xf32>
    %add3A_208 = arith.addf %add3A_189, %mul3A_207 : vector<16x32xf32>
    %get3A_209 = arith.constant 0 : index
    %get3A_210 = arith.constant 11 : index
    %get3A_211 = arith.constant 0 : index
    %get3A_212 = vector.load %arg1[%get3A_209, %get3A_210, %get3A_211] : memref<16x64x128xf32, #tpu.memory_space<vmem>>, vector<16x1x32xf32>
    %get3A_213 = vector.shape_cast %get3A_212 : vector<16x1x32xf32> to vector<16x32xf32>
    %get3A_214 = arith.constant 352 : index
    %get3A_215 = arith.constant 0 : index
    %get3A_216 = vector.load %arg3[%get3A_214, %get3A_215] : memref<2048x512xf32, #tpu.memory_space<vmem>>, vector<32x512xf32>
    %dot_general3A_217 = arith.constant dense<0.000000e+00> : vector<16x512xf32>
    %dot_general3A_218 = tpu.matmul %get3A_213, %get3A_216, %dot_general3A_217 {dimension_numbers = #tpu.dot_dimension_numbers<[1], [0], [0], [1], [0, 0, 1, 1], [], []>, transpose_lhs_hint = false} : vector<16x32xf32>, vector<32x512xf32>, vector<16x512xf32> -> vector<16x512xf32>
    %add3A_219 = arith.addf %add3A_200, %dot_general3A_218 : vector<16x512xf32>
    %get3A_220 = arith.constant 0 : index
    %get3A_221 = arith.constant 11 : index
    %get3A_222 = arith.constant 0 : index
    %get3A_223 = vector.load %arg2[%get3A_220, %get3A_221, %get3A_222] : memref<16x64x32xf32, #tpu.memory_space<vmem>>, vector<16x1x32xf32>
    %get3A_224 = vector.shape_cast %get3A_223 : vector<16x1x32xf32> to vector<16x32xf32>
    %sub3A_225 = arith.subf %get3A_213, %get3A_224 : vector<16x32xf32>
    %mul3A_226 = arith.mulf %sub3A_225, %sub3A_225 : vector<16x32xf32>
    %add3A_227 = arith.addf %add3A_208, %mul3A_226 : vector<16x32xf32>
    %get3A_228 = arith.constant 0 : index
    %get3A_229 = arith.constant 12 : index
    %get3A_230 = arith.constant 0 : index
    %get3A_231 = vector.load %arg1[%get3A_228, %get3A_229, %get3A_230] : memref<16x64x128xf32, #tpu.memory_space<vmem>>, vector<16x1x32xf32>
    %get3A_232 = vector.shape_cast %get3A_231 : vector<16x1x32xf32> to vector<16x32xf32>
    %get3A_233 = arith.constant 384 : index
    %get3A_234 = arith.constant 0 : index
    %get3A_235 = vector.load %arg3[%get3A_233, %get3A_234] : memref<2048x512xf32, #tpu.memory_space<vmem>>, vector<32x512xf32>
    %dot_general3A_236 = arith.constant dense<0.000000e+00> : vector<16x512xf32>
    %dot_general3A_237 = tpu.matmul %get3A_232, %get3A_235, %dot_general3A_236 {dimension_numbers = #tpu.dot_dimension_numbers<[1], [0], [0], [1], [0, 0, 1, 1], [], []>, transpose_lhs_hint = false} : vector<16x32xf32>, vector<32x512xf32>, vector<16x512xf32> -> vector<16x512xf32>
    %add3A_238 = arith.addf %add3A_219, %dot_general3A_237 : vector<16x512xf32>
    %get3A_239 = arith.constant 0 : index
    %get3A_240 = arith.constant 12 : index
    %get3A_241 = arith.constant 0 : index
    %get3A_242 = vector.load %arg2[%get3A_239, %get3A_240, %get3A_241] : memref<16x64x32xf32, #tpu.memory_space<vmem>>, vector<16x1x32xf32>
    %get3A_243 = vector.shape_cast %get3A_242 : vector<16x1x32xf32> to vector<16x32xf32>
    %sub3A_244 = arith.subf %get3A_232, %get3A_243 : vector<16x32xf32>
    %mul3A_245 = arith.mulf %sub3A_244, %sub3A_244 : vector<16x32xf32>
    %add3A_246 = arith.addf %add3A_227, %mul3A_245 : vector<16x32xf32>
    %get3A_247 = arith.constant 0 : index
    %get3A_248 = arith.constant 13 : index
    %get3A_249 = arith.constant 0 : index
    %get3A_250 = vector.load %arg1[%get3A_247, %get3A_248, %get3A_249] : memref<16x64x128xf32, #tpu.memory_space<vmem>>, vector<16x1x32xf32>
    %get3A_251 = vector.shape_cast %get3A_250 : vector<16x1x32xf32> to vector<16x32xf32>
    %get3A_252 = arith.constant 416 : index
    %get3A_253 = arith.constant 0 : index
    %get3A_254 = vector.load %arg3[%get3A_252, %get3A_253] : memref<2048x512xf32, #tpu.memory_space<vmem>>, vector<32x512xf32>
    %dot_general3A_255 = arith.constant dense<0.000000e+00> : vector<16x512xf32>
    %dot_general3A_256 = tpu.matmul %get3A_251, %get3A_254, %dot_general3A_255 {dimension_numbers = #tpu.dot_dimension_numbers<[1], [0], [0], [1], [0, 0, 1, 1], [], []>, transpose_lhs_hint = false} : vector<16x32xf32>, vector<32x512xf32>, vector<16x512xf32> -> vector<16x512xf32>
    %add3A_257 = arith.addf %add3A_238, %dot_general3A_256 : vector<16x512xf32>
    %get3A_258 = arith.constant 0 : index
    %get3A_259 = arith.constant 13 : index
    %get3A_260 = arith.constant 0 : index
    %get3A_261 = vector.load %arg2[%get3A_258, %get3A_259, %get3A_260] : memref<16x64x32xf32, #tpu.memory_space<vmem>>, vector<16x1x32xf32>
    %get3A_262 = vector.shape_cast %get3A_261 : vector<16x1x32xf32> to vector<16x32xf32>
    %sub3A_263 = arith.subf %get3A_251, %get3A_262 : vector<16x32xf32>
    %mul3A_264 = arith.mulf %sub3A_263, %sub3A_263 : vector<16x32xf32>
    %add3A_265 = arith.addf %add3A_246, %mul3A_264 : vector<16x32xf32>
    %get3A_266 = arith.constant 0 : index
    %get3A_267 = arith.constant 14 : index
    %get3A_268 = arith.constant 0 : index
    %get3A_269 = vector.load %arg1[%get3A_266, %get3A_267, %get3A_268] : memref<16x64x128xf32, #tpu.memory_space<vmem>>, vector<16x1x32xf32>
    %get3A_270 = vector.shape_cast %get3A_269 : vector<16x1x32xf32> to vector<16x32xf32>
    %get3A_271 = arith.constant 448 : index
    %get3A_272 = arith.constant 0 : index
    %get3A_273 = vector.load %arg3[%get3A_271, %get3A_272] : memref<2048x512xf32, #tpu.memory_space<vmem>>, vector<32x512xf32>
    %dot_general3A_274 = arith.constant dense<0.000000e+00> : vector<16x512xf32>
    %dot_general3A_275 = tpu.matmul %get3A_270, %get3A_273, %dot_general3A_274 {dimension_numbers = #tpu.dot_dimension_numbers<[1], [0], [0], [1], [0, 0, 1, 1], [], []>, transpose_lhs_hint = false} : vector<16x32xf32>, vector<32x512xf32>, vector<16x512xf32> -> vector<16x512xf32>
    %add3A_276 = arith.addf %add3A_257, %dot_general3A_275 : vector<16x512xf32>
    %get3A_277 = arith.constant 0 : index
    %get3A_278 = arith.constant 14 : index
    %get3A_279 = arith.constant 0 : index
    %get3A_280 = vector.load %arg2[%get3A_277, %get3A_278, %get3A_279] : memref<16x64x32xf32, #tpu.memory_space<vmem>>, vector<16x1x32xf32>
    %get3A_281 = vector.shape_cast %get3A_280 : vector<16x1x32xf32> to vector<16x32xf32>
    %sub3A_282 = arith.subf %get3A_270, %get3A_281 : vector<16x32xf32>
    %mul3A_283 = arith.mulf %sub3A_282, %sub3A_282 : vector<16x32xf32>
    %add3A_284 = arith.addf %add3A_265, %mul3A_283 : vector<16x32xf32>
    %get3A_285 = arith.constant 0 : index
    %get3A_286 = arith.constant 15 : index
    %get3A_287 = arith.constant 0 : index
    %get3A_288 = vector.load %arg1[%get3A_285, %get3A_286, %get3A_287] : memref<16x64x128xf32, #tpu.memory_space<vmem>>, vector<16x1x32xf32>
    %get3A_289 = vector.shape_cast %get3A_288 : vector<16x1x32xf32> to vector<16x32xf32>
    %get3A_290 = arith.constant 480 : index
    %get3A_291 = arith.constant 0 : index
    %get3A_292 = vector.load %arg3[%get3A_290, %get3A_291] : memref<2048x512xf32, #tpu.memory_space<vmem>>, vector<32x512xf32>
    %dot_general3A_293 = arith.constant dense<0.000000e+00> : vector<16x512xf32>
    %dot_general3A_294 = tpu.matmul %get3A_289, %get3A_292, %dot_general3A_293 {dimension_numbers = #tpu.dot_dimension_numbers<[1], [0], [0], [1], [0, 0, 1, 1], [], []>, transpose_lhs_hint = false} : vector<16x32xf32>, vector<32x512xf32>, vector<16x512xf32> -> vector<16x512xf32>
    %add3A_295 = arith.addf %add3A_276, %dot_general3A_294 : vector<16x512xf32>
    %get3A_296 = arith.constant 0 : index
    %get3A_297 = arith.constant 15 : index
    %get3A_298 = arith.constant 0 : index
    %get3A_299 = vector.load %arg2[%get3A_296, %get3A_297, %get3A_298] : memref<16x64x32xf32, #tpu.memory_space<vmem>>, vector<16x1x32xf32>
    %get3A_300 = vector.shape_cast %get3A_299 : vector<16x1x32xf32> to vector<16x32xf32>
    %sub3A_301 = arith.subf %get3A_289, %get3A_300 : vector<16x32xf32>
    %mul3A_302 = arith.mulf %sub3A_301, %sub3A_301 : vector<16x32xf32>
    %add3A_303 = arith.addf %add3A_284, %mul3A_302 : vector<16x32xf32>
    %get3A_304 = arith.constant 0 : index
    %get3A_305 = arith.constant 16 : index
    %get3A_306 = arith.constant 0 : index
    %get3A_307 = vector.load %arg1[%get3A_304, %get3A_305, %get3A_306] : memref<16x64x128xf32, #tpu.memory_space<vmem>>, vector<16x1x32xf32>
    %get3A_308 = vector.shape_cast %get3A_307 : vector<16x1x32xf32> to vector<16x32xf32>
    %get3A_309 = arith.constant 512 : index
    %get3A_310 = arith.constant 0 : index
    %get3A_311 = vector.load %arg3[%get3A_309, %get3A_310] : memref<2048x512xf32, #tpu.memory_space<vmem>>, vector<32x512xf32>
    %dot_general3A_312 = arith.constant dense<0.000000e+00> : vector<16x512xf32>
    %dot_general3A_313 = tpu.matmul %get3A_308, %get3A_311, %dot_general3A_312 {dimension_numbers = #tpu.dot_dimension_numbers<[1], [0], [0], [1], [0, 0, 1, 1], [], []>, transpose_lhs_hint = false} : vector<16x32xf32>, vector<32x512xf32>, vector<16x512xf32> -> vector<16x512xf32>
    %add3A_314 = arith.addf %add3A_295, %dot_general3A_313 : vector<16x512xf32>
    %get3A_315 = arith.constant 0 : index
    %get3A_316 = arith.constant 16 : index
    %get3A_317 = arith.constant 0 : index
    %get3A_318 = vector.load %arg2[%get3A_315, %get3A_316, %get3A_317] : memref<16x64x32xf32, #tpu.memory_space<vmem>>, vector<16x1x32xf32>
    %get3A_319 = vector.shape_cast %get3A_318 : vector<16x1x32xf32> to vector<16x32xf32>
    %sub3A_320 = arith.subf %get3A_308, %get3A_319 : vector<16x32xf32>
    %mul3A_321 = arith.mulf %sub3A_320, %sub3A_320 : vector<16x32xf32>
    %add3A_322 = arith.addf %add3A_303, %mul3A_321 : vector<16x32xf32>
    %get3A_323 = arith.constant 0 : index
    %get3A_324 = arith.constant 17 : index
    %get3A_325 = arith.constant 0 : index
    %get3A_326 = vector.load %arg1[%get3A_323, %get3A_324, %get3A_325] : memref<16x64x128xf32, #tpu.memory_space<vmem>>, vector<16x1x32xf32>
    %get3A_327 = vector.shape_cast %get3A_326 : vector<16x1x32xf32> to vector<16x32xf32>
    %get3A_328 = arith.constant 544 : index
    %get3A_329 = arith.constant 0 : index
    %get3A_330 = vector.load %arg3[%get3A_328, %get3A_329] : memref<2048x512xf32, #tpu.memory_space<vmem>>, vector<32x512xf32>
    %dot_general3A_331 = arith.constant dense<0.000000e+00> : vector<16x512xf32>
    %dot_general3A_332 = tpu.matmul %get3A_327, %get3A_330, %dot_general3A_331 {dimension_numbers = #tpu.dot_dimension_numbers<[1], [0], [0], [1], [0, 0, 1, 1], [], []>, transpose_lhs_hint = false} : vector<16x32xf32>, vector<32x512xf32>, vector<16x512xf32> -> vector<16x512xf32>
    %add3A_333 = arith.addf %add3A_314, %dot_general3A_332 : vector<16x512xf32>
    %get3A_334 = arith.constant 0 : index
    %get3A_335 = arith.constant 17 : index
    %get3A_336 = arith.constant 0 : index
    %get3A_337 = vector.load %arg2[%get3A_334, %get3A_335, %get3A_336] : memref<16x64x32xf32, #tpu.memory_space<vmem>>, vector<16x1x32xf32>
    %get3A_338 = vector.shape_cast %get3A_337 : vector<16x1x32xf32> to vector<16x32xf32>
    %sub3A_339 = arith.subf %get3A_327, %get3A_338 : vector<16x32xf32>
    %mul3A_340 = arith.mulf %sub3A_339, %sub3A_339 : vector<16x32xf32>
    %add3A_341 = arith.addf %add3A_322, %mul3A_340 : vector<16x32xf32>
    %get3A_342 = arith.constant 0 : index
    %get3A_343 = arith.constant 18 : index
    %get3A_344 = arith.constant 0 : index
    %get3A_345 = vector.load %arg1[%get3A_342, %get3A_343, %get3A_344] : memref<16x64x128xf32, #tpu.memory_space<vmem>>, vector<16x1x32xf32>
    %get3A_346 = vector.shape_cast %get3A_345 : vector<16x1x32xf32> to vector<16x32xf32>
    %get3A_347 = arith.constant 576 : index
    %get3A_348 = arith.constant 0 : index
    %get3A_349 = vector.load %arg3[%get3A_347, %get3A_348] : memref<2048x512xf32, #tpu.memory_space<vmem>>, vector<32x512xf32>
    %dot_general3A_350 = arith.constant dense<0.000000e+00> : vector<16x512xf32>
    %dot_general3A_351 = tpu.matmul %get3A_346, %get3A_349, %dot_general3A_350 {dimension_numbers = #tpu.dot_dimension_numbers<[1], [0], [0], [1], [0, 0, 1, 1], [], []>, transpose_lhs_hint = false} : vector<16x32xf32>, vector<32x512xf32>, vector<16x512xf32> -> vector<16x512xf32>
    %add3A_352 = arith.addf %add3A_333, %dot_general3A_351 : vector<16x512xf32>
    %get3A_353 = arith.constant 0 : index
    %get3A_354 = arith.constant 18 : index
    %get3A_355 = arith.constant 0 : index
    %get3A_356 = vector.load %arg2[%get3A_353, %get3A_354, %get3A_355] : memref<16x64x32xf32, #tpu.memory_space<vmem>>, vector<16x1x32xf32>
    %get3A_357 = vector.shape_cast %get3A_356 : vector<16x1x32xf32> to vector<16x32xf32>
    %sub3A_358 = arith.subf %get3A_346, %get3A_357 : vector<16x32xf32>
    %mul3A_359 = arith.mulf %sub3A_358, %sub3A_358 : vector<16x32xf32>
    %add3A_360 = arith.addf %add3A_341, %mul3A_359 : vector<16x32xf32>
    %get3A_361 = arith.constant 0 : index
    %get3A_362 = arith.constant 19 : index
    %get3A_363 = arith.constant 0 : index
    %get3A_364 = vector.load %arg1[%get3A_361, %get3A_362, %get3A_363] : memref<16x64x128xf32, #tpu.memory_space<vmem>>, vector<16x1x32xf32>
    %get3A_365 = vector.shape_cast %get3A_364 : vector<16x1x32xf32> to vector<16x32xf32>
    %get3A_366 = arith.constant 608 : index
    %get3A_367 = arith.constant 0 : index
    %get3A_368 = vector.load %arg3[%get3A_366, %get3A_367] : memref<2048x512xf32, #tpu.memory_space<vmem>>, vector<32x512xf32>
    %dot_general3A_369 = arith.constant dense<0.000000e+00> : vector<16x512xf32>
    %dot_general3A_370 = tpu.matmul %get3A_365, %get3A_368, %dot_general3A_369 {dimension_numbers = #tpu.dot_dimension_numbers<[1], [0], [0], [1], [0, 0, 1, 1], [], []>, transpose_lhs_hint = false} : vector<16x32xf32>, vector<32x512xf32>, vector<16x512xf32> -> vector<16x512xf32>
    %add3A_371 = arith.addf %add3A_352, %dot_general3A_370 : vector<16x512xf32>
    %get3A_372 = arith.constant 0 : index
    %get3A_373 = arith.constant 19 : index
    %get3A_374 = arith.constant 0 : index
    %get3A_375 = vector.load %arg2[%get3A_372, %get3A_373, %get3A_374] : memref<16x64x32xf32, #tpu.memory_space<vmem>>, vector<16x1x32xf32>
    %get3A_376 = vector.shape_cast %get3A_375 : vector<16x1x32xf32> to vector<16x32xf32>
    %sub3A_377 = arith.subf %get3A_365, %get3A_376 : vector<16x32xf32>
    %mul3A_378 = arith.mulf %sub3A_377, %sub3A_377 : vector<16x32xf32>
    %add3A_379 = arith.addf %add3A_360, %mul3A_378 : vector<16x32xf32>
    %get3A_380 = arith.constant 0 : index
    %get3A_381 = arith.constant 20 : index
    %get3A_382 = arith.constant 0 : index
    %get3A_383 = vector.load %arg1[%get3A_380, %get3A_381, %get3A_382] : memref<16x64x128xf32, #tpu.memory_space<vmem>>, vector<16x1x32xf32>
    %get3A_384 = vector.shape_cast %get3A_383 : vector<16x1x32xf32> to vector<16x32xf32>
    %get3A_385 = arith.constant 640 : index
    %get3A_386 = arith.constant 0 : index
    %get3A_387 = vector.load %arg3[%get3A_385, %get3A_386] : memref<2048x512xf32, #tpu.memory_space<vmem>>, vector<32x512xf32>
    %dot_general3A_388 = arith.constant dense<0.000000e+00> : vector<16x512xf32>
    %dot_general3A_389 = tpu.matmul %get3A_384, %get3A_387, %dot_general3A_388 {dimension_numbers = #tpu.dot_dimension_numbers<[1], [0], [0], [1], [0, 0, 1, 1], [], []>, transpose_lhs_hint = false} : vector<16x32xf32>, vector<32x512xf32>, vector<16x512xf32> -> vector<16x512xf32>
    %add3A_390 = arith.addf %add3A_371, %dot_general3A_389 : vector<16x512xf32>
    %get3A_391 = arith.constant 0 : index
    %get3A_392 = arith.constant 20 : index
    %get3A_393 = arith.constant 0 : index
    %get3A_394 = vector.load %arg2[%get3A_391, %get3A_392, %get3A_393] : memref<16x64x32xf32, #tpu.memory_space<vmem>>, vector<16x1x32xf32>
    %get3A_395 = vector.shape_cast %get3A_394 : vector<16x1x32xf32> to vector<16x32xf32>
    %sub3A_396 = arith.subf %get3A_384, %get3A_395 : vector<16x32xf32>
    %mul3A_397 = arith.mulf %sub3A_396, %sub3A_396 : vector<16x32xf32>
    %add3A_398 = arith.addf %add3A_379, %mul3A_397 : vector<16x32xf32>
    %get3A_399 = arith.constant 0 : index
    %get3A_400 = arith.constant 21 : index
    %get3A_401 = arith.constant 0 : index
    %get3A_402 = vector.load %arg1[%get3A_399, %get3A_400, %get3A_401] : memref<16x64x128xf32, #tpu.memory_space<vmem>>, vector<16x1x32xf32>
    %get3A_403 = vector.shape_cast %get3A_402 : vector<16x1x32xf32> to vector<16x32xf32>
    %get3A_404 = arith.constant 672 : index
    %get3A_405 = arith.constant 0 : index
    %get3A_406 = vector.load %arg3[%get3A_404, %get3A_405] : memref<2048x512xf32, #tpu.memory_space<vmem>>, vector<32x512xf32>
    %dot_general3A_407 = arith.constant dense<0.000000e+00> : vector<16x512xf32>
    %dot_general3A_408 = tpu.matmul %get3A_403, %get3A_406, %dot_general3A_407 {dimension_numbers = #tpu.dot_dimension_numbers<[1], [0], [0], [1], [0, 0, 1, 1], [], []>, transpose_lhs_hint = false} : vector<16x32xf32>, vector<32x512xf32>, vector<16x512xf32> -> vector<16x512xf32>
    %add3A_409 = arith.addf %add3A_390, %dot_general3A_408 : vector<16x512xf32>
    %get3A_410 = arith.constant 0 : index
    %get3A_411 = arith.constant 21 : index
    %get3A_412 = arith.constant 0 : index
    %get3A_413 = vector.load %arg2[%get3A_410, %get3A_411, %get3A_412] : memref<16x64x32xf32, #tpu.memory_space<vmem>>, vector<16x1x32xf32>
    %get3A_414 = vector.shape_cast %get3A_413 : vector<16x1x32xf32> to vector<16x32xf32>
    %sub3A_415 = arith.subf %get3A_403, %get3A_414 : vector<16x32xf32>
    %mul3A_416 = arith.mulf %sub3A_415, %sub3A_415 : vector<16x32xf32>
    %add3A_417 = arith.addf %add3A_398, %mul3A_416 : vector<16x32xf32>
    %get3A_418 = arith.constant 0 : index
    %get3A_419 = arith.constant 22 : index
    %get3A_420 = arith.constant 0 : index
    %get3A_421 = vector.load %arg1[%get3A_418, %get3A_419, %get3A_420] : memref<16x64x128xf32, #tpu.memory_space<vmem>>, vector<16x1x32xf32>
    %get3A_422 = vector.shape_cast %get3A_421 : vector<16x1x32xf32> to vector<16x32xf32>
    %get3A_423 = arith.constant 704 : index
    %get3A_424 = arith.constant 0 : index
    %get3A_425 = vector.load %arg3[%get3A_423, %get3A_424] : memref<2048x512xf32, #tpu.memory_space<vmem>>, vector<32x512xf32>
    %dot_general3A_426 = arith.constant dense<0.000000e+00> : vector<16x512xf32>
    %dot_general3A_427 = tpu.matmul %get3A_422, %get3A_425, %dot_general3A_426 {dimension_numbers = #tpu.dot_dimension_numbers<[1], [0], [0], [1], [0, 0, 1, 1], [], []>, transpose_lhs_hint = false} : vector<16x32xf32>, vector<32x512xf32>, vector<16x512xf32> -> vector<16x512xf32>
    %add3A_428 = arith.addf %add3A_409, %dot_general3A_427 : vector<16x512xf32>
    %get3A_429 = arith.constant 0 : index
    %get3A_430 = arith.constant 22 : index
    %get3A_431 = arith.constant 0 : index
    %get3A_432 = vector.load %arg2[%get3A_429, %get3A_430, %get3A_431] : memref<16x64x32xf32, #tpu.memory_space<vmem>>, vector<16x1x32xf32>
    %get3A_433 = vector.shape_cast %get3A_432 : vector<16x1x32xf32> to vector<16x32xf32>
    %sub3A_434 = arith.subf %get3A_422, %get3A_433 : vector<16x32xf32>
    %mul3A_435 = arith.mulf %sub3A_434, %sub3A_434 : vector<16x32xf32>
    %add3A_436 = arith.addf %add3A_417, %mul3A_435 : vector<16x32xf32>
    %get3A_437 = arith.constant 0 : index
    %get3A_438 = arith.constant 23 : index
    %get3A_439 = arith.constant 0 : index
    %get3A_440 = vector.load %arg1[%get3A_437, %get3A_438, %get3A_439] : memref<16x64x128xf32, #tpu.memory_space<vmem>>, vector<16x1x32xf32>
    %get3A_441 = vector.shape_cast %get3A_440 : vector<16x1x32xf32> to vector<16x32xf32>
    %get3A_442 = arith.constant 736 : index
    %get3A_443 = arith.constant 0 : index
    %get3A_444 = vector.load %arg3[%get3A_442, %get3A_443] : memref<2048x512xf32, #tpu.memory_space<vmem>>, vector<32x512xf32>
    %dot_general3A_445 = arith.constant dense<0.000000e+00> : vector<16x512xf32>
    %dot_general3A_446 = tpu.matmul %get3A_441, %get3A_444, %dot_general3A_445 {dimension_numbers = #tpu.dot_dimension_numbers<[1], [0], [0], [1], [0, 0, 1, 1], [], []>, transpose_lhs_hint = false} : vector<16x32xf32>, vector<32x512xf32>, vector<16x512xf32> -> vector<16x512xf32>
    %add3A_447 = arith.addf %add3A_428, %dot_general3A_446 : vector<16x512xf32>
    %get3A_448 = arith.constant 0 : index
    %get3A_449 = arith.constant 23 : index
    %get3A_450 = arith.constant 0 : index
    %get3A_451 = vector.load %arg2[%get3A_448, %get3A_449, %get3A_450] : memref<16x64x32xf32, #tpu.memory_space<vmem>>, vector<16x1x32xf32>
    %get3A_452 = vector.shape_cast %get3A_451 : vector<16x1x32xf32> to vector<16x32xf32>
    %sub3A_453 = arith.subf %get3A_441, %get3A_452 : vector<16x32xf32>
    %mul3A_454 = arith.mulf %sub3A_453, %sub3A_453 : vector<16x32xf32>
    %add3A_455 = arith.addf %add3A_436, %mul3A_454 : vector<16x32xf32>
    %get3A_456 = arith.constant 0 : index
    %get3A_457 = arith.constant 24 : index
    %get3A_458 = arith.constant 0 : index
    %get3A_459 = vector.load %arg1[%get3A_456, %get3A_457, %get3A_458] : memref<16x64x128xf32, #tpu.memory_space<vmem>>, vector<16x1x32xf32>
    %get3A_460 = vector.shape_cast %get3A_459 : vector<16x1x32xf32> to vector<16x32xf32>
    %get3A_461 = arith.constant 768 : index
    %get3A_462 = arith.constant 0 : index
    %get3A_463 = vector.load %arg3[%get3A_461, %get3A_462] : memref<2048x512xf32, #tpu.memory_space<vmem>>, vector<32x512xf32>
    %dot_general3A_464 = arith.constant dense<0.000000e+00> : vector<16x512xf32>
    %dot_general3A_465 = tpu.matmul %get3A_460, %get3A_463, %dot_general3A_464 {dimension_numbers = #tpu.dot_dimension_numbers<[1], [0], [0], [1], [0, 0, 1, 1], [], []>, transpose_lhs_hint = false} : vector<16x32xf32>, vector<32x512xf32>, vector<16x512xf32> -> vector<16x512xf32>
    %add3A_466 = arith.addf %add3A_447, %dot_general3A_465 : vector<16x512xf32>
    %get3A_467 = arith.constant 0 : index
    %get3A_468 = arith.constant 24 : index
    %get3A_469 = arith.constant 0 : index
    %get3A_470 = vector.load %arg2[%get3A_467, %get3A_468, %get3A_469] : memref<16x64x32xf32, #tpu.memory_space<vmem>>, vector<16x1x32xf32>
    %get3A_471 = vector.shape_cast %get3A_470 : vector<16x1x32xf32> to vector<16x32xf32>
    %sub3A_472 = arith.subf %get3A_460, %get3A_471 : vector<16x32xf32>
    %mul3A_473 = arith.mulf %sub3A_472, %sub3A_472 : vector<16x32xf32>
    %add3A_474 = arith.addf %add3A_455, %mul3A_473 : vector<16x32xf32>
    %get3A_475 = arith.constant 0 : index
    %get3A_476 = arith.constant 25 : index
    %get3A_477 = arith.constant 0 : index
    %get3A_478 = vector.load %arg1[%get3A_475, %get3A_476, %get3A_477] : memref<16x64x128xf32, #tpu.memory_space<vmem>>, vector<16x1x32xf32>
    %get3A_479 = vector.shape_cast %get3A_478 : vector<16x1x32xf32> to vector<16x32xf32>
    %get3A_480 = arith.constant 800 : index
    %get3A_481 = arith.constant 0 : index
    %get3A_482 = vector.load %arg3[%get3A_480, %get3A_481] : memref<2048x512xf32, #tpu.memory_space<vmem>>, vector<32x512xf32>
    %dot_general3A_483 = arith.constant dense<0.000000e+00> : vector<16x512xf32>
    %dot_general3A_484 = tpu.matmul %get3A_479, %get3A_482, %dot_general3A_483 {dimension_numbers = #tpu.dot_dimension_numbers<[1], [0], [0], [1], [0, 0, 1, 1], [], []>, transpose_lhs_hint = false} : vector<16x32xf32>, vector<32x512xf32>, vector<16x512xf32> -> vector<16x512xf32>
    %add3A_485 = arith.addf %add3A_466, %dot_general3A_484 : vector<16x512xf32>
    %get3A_486 = arith.constant 0 : index
    %get3A_487 = arith.constant 25 : index
    %get3A_488 = arith.constant 0 : index
    %get3A_489 = vector.load %arg2[%get3A_486, %get3A_487, %get3A_488] : memref<16x64x32xf32, #tpu.memory_space<vmem>>, vector<16x1x32xf32>
    %get3A_490 = vector.shape_cast %get3A_489 : vector<16x1x32xf32> to vector<16x32xf32>
    %sub3A_491 = arith.subf %get3A_479, %get3A_490 : vector<16x32xf32>
    %mul3A_492 = arith.mulf %sub3A_491, %sub3A_491 : vector<16x32xf32>
    %add3A_493 = arith.addf %add3A_474, %mul3A_492 : vector<16x32xf32>
    %get3A_494 = arith.constant 0 : index
    %get3A_495 = arith.constant 26 : index
    %get3A_496 = arith.constant 0 : index
    %get3A_497 = vector.load %arg1[%get3A_494, %get3A_495, %get3A_496] : memref<16x64x128xf32, #tpu.memory_space<vmem>>, vector<16x1x32xf32>
    %get3A_498 = vector.shape_cast %get3A_497 : vector<16x1x32xf32> to vector<16x32xf32>
    %get3A_499 = arith.constant 832 : index
    %get3A_500 = arith.constant 0 : index
    %get3A_501 = vector.load %arg3[%get3A_499, %get3A_500] : memref<2048x512xf32, #tpu.memory_space<vmem>>, vector<32x512xf32>
    %dot_general3A_502 = arith.constant dense<0.000000e+00> : vector<16x512xf32>
    %dot_general3A_503 = tpu.matmul %get3A_498, %get3A_501, %dot_general3A_502 {dimension_numbers = #tpu.dot_dimension_numbers<[1], [0], [0], [1], [0, 0, 1, 1], [], []>, transpose_lhs_hint = false} : vector<16x32xf32>, vector<32x512xf32>, vector<16x512xf32> -> vector<16x512xf32>
    %add3A_504 = arith.addf %add3A_485, %dot_general3A_503 : vector<16x512xf32>
    %get3A_505 = arith.constant 0 : index
    %get3A_506 = arith.constant 26 : index
    %get3A_507 = arith.constant 0 : index
    %get3A_508 = vector.load %arg2[%get3A_505, %get3A_506, %get3A_507] : memref<16x64x32xf32, #tpu.memory_space<vmem>>, vector<16x1x32xf32>
    %get3A_509 = vector.shape_cast %get3A_508 : vector<16x1x32xf32> to vector<16x32xf32>
    %sub3A_510 = arith.subf %get3A_498, %get3A_509 : vector<16x32xf32>
    %mul3A_511 = arith.mulf %sub3A_510, %sub3A_510 : vector<16x32xf32>
    %add3A_512 = arith.addf %add3A_493, %mul3A_511 : vector<16x32xf32>
    %get3A_513 = arith.constant 0 : index
    %get3A_514 = arith.constant 27 : index
    %get3A_515 = arith.constant 0 : index
    %get3A_516 = vector.load %arg1[%get3A_513, %get3A_514, %get3A_515] : memref<16x64x128xf32, #tpu.memory_space<vmem>>, vector<16x1x32xf32>
    %get3A_517 = vector.shape_cast %get3A_516 : vector<16x1x32xf32> to vector<16x32xf32>
    %get3A_518 = arith.constant 864 : index
    %get3A_519 = arith.constant 0 : index
    %get3A_520 = vector.load %arg3[%get3A_518, %get3A_519] : memref<2048x512xf32, #tpu.memory_space<vmem>>, vector<32x512xf32>
    %dot_general3A_521 = arith.constant dense<0.000000e+00> : vector<16x512xf32>
    %dot_general3A_522 = tpu.matmul %get3A_517, %get3A_520, %dot_general3A_521 {dimension_numbers = #tpu.dot_dimension_numbers<[1], [0], [0], [1], [0, 0, 1, 1], [], []>, transpose_lhs_hint = false} : vector<16x32xf32>, vector<32x512xf32>, vector<16x512xf32> -> vector<16x512xf32>
    %add3A_523 = arith.addf %add3A_504, %dot_general3A_522 : vector<16x512xf32>
    %get3A_524 = arith.constant 0 : index
    %get3A_525 = arith.constant 27 : index
    %get3A_526 = arith.constant 0 : index
    %get3A_527 = vector.load %arg2[%get3A_524, %get3A_525, %get3A_526] : memref<16x64x32xf32, #tpu.memory_space<vmem>>, vector<16x1x32xf32>
    %get3A_528 = vector.shape_cast %get3A_527 : vector<16x1x32xf32> to vector<16x32xf32>
    %sub3A_529 = arith.subf %get3A_517, %get3A_528 : vector<16x32xf32>
    %mul3A_530 = arith.mulf %sub3A_529, %sub3A_529 : vector<16x32xf32>
    %add3A_531 = arith.addf %add3A_512, %mul3A_530 : vector<16x32xf32>
    %get3A_532 = arith.constant 0 : index
    %get3A_533 = arith.constant 28 : index
    %get3A_534 = arith.constant 0 : index
    %get3A_535 = vector.load %arg1[%get3A_532, %get3A_533, %get3A_534] : memref<16x64x128xf32, #tpu.memory_space<vmem>>, vector<16x1x32xf32>
    %get3A_536 = vector.shape_cast %get3A_535 : vector<16x1x32xf32> to vector<16x32xf32>
    %get3A_537 = arith.constant 896 : index
    %get3A_538 = arith.constant 0 : index
    %get3A_539 = vector.load %arg3[%get3A_537, %get3A_538] : memref<2048x512xf32, #tpu.memory_space<vmem>>, vector<32x512xf32>
    %dot_general3A_540 = arith.constant dense<0.000000e+00> : vector<16x512xf32>
    %dot_general3A_541 = tpu.matmul %get3A_536, %get3A_539, %dot_general3A_540 {dimension_numbers = #tpu.dot_dimension_numbers<[1], [0], [0], [1], [0, 0, 1, 1], [], []>, transpose_lhs_hint = false} : vector<16x32xf32>, vector<32x512xf32>, vector<16x512xf32> -> vector<16x512xf32>
    %add3A_542 = arith.addf %add3A_523, %dot_general3A_541 : vector<16x512xf32>
    %get3A_543 = arith.constant 0 : index
    %get3A_544 = arith.constant 28 : index
    %get3A_545 = arith.constant 0 : index
    %get3A_546 = vector.load %arg2[%get3A_543, %get3A_544, %get3A_545] : memref<16x64x32xf32, #tpu.memory_space<vmem>>, vector<16x1x32xf32>
    %get3A_547 = vector.shape_cast %get3A_546 : vector<16x1x32xf32> to vector<16x32xf32>
    %sub3A_548 = arith.subf %get3A_536, %get3A_547 : vector<16x32xf32>
    %mul3A_549 = arith.mulf %sub3A_548, %sub3A_548 : vector<16x32xf32>
    %add3A_550 = arith.addf %add3A_531, %mul3A_549 : vector<16x32xf32>
    %get3A_551 = arith.constant 0 : index
    %get3A_552 = arith.constant 29 : index
    %get3A_553 = arith.constant 0 : index
    %get3A_554 = vector.load %arg1[%get3A_551, %get3A_552, %get3A_553] : memref<16x64x128xf32, #tpu.memory_space<vmem>>, vector<16x1x32xf32>
    %get3A_555 = vector.shape_cast %get3A_554 : vector<16x1x32xf32> to vector<16x32xf32>
    %get3A_556 = arith.constant 928 : index
    %get3A_557 = arith.constant 0 : index
    %get3A_558 = vector.load %arg3[%get3A_556, %get3A_557] : memref<2048x512xf32, #tpu.memory_space<vmem>>, vector<32x512xf32>
    %dot_general3A_559 = arith.constant dense<0.000000e+00> : vector<16x512xf32>
    %dot_general3A_560 = tpu.matmul %get3A_555, %get3A_558, %dot_general3A_559 {dimension_numbers = #tpu.dot_dimension_numbers<[1], [0], [0], [1], [0, 0, 1, 1], [], []>, transpose_lhs_hint = false} : vector<16x32xf32>, vector<32x512xf32>, vector<16x512xf32> -> vector<16x512xf32>
    %add3A_561 = arith.addf %add3A_542, %dot_general3A_560 : vector<16x512xf32>
    %get3A_562 = arith.constant 0 : index
    %get3A_563 = arith.constant 29 : index
    %get3A_564 = arith.constant 0 : index
    %get3A_565 = vector.load %arg2[%get3A_562, %get3A_563, %get3A_564] : memref<16x64x32xf32, #tpu.memory_space<vmem>>, vector<16x1x32xf32>
    %get3A_566 = vector.shape_cast %get3A_565 : vector<16x1x32xf32> to vector<16x32xf32>
    %sub3A_567 = arith.subf %get3A_555, %get3A_566 : vector<16x32xf32>
    %mul3A_568 = arith.mulf %sub3A_567, %sub3A_567 : vector<16x32xf32>
    %add3A_569 = arith.addf %add3A_550, %mul3A_568 : vector<16x32xf32>
    %get3A_570 = arith.constant 0 : index
    %get3A_571 = arith.constant 30 : index
    %get3A_572 = arith.constant 0 : index
    %get3A_573 = vector.load %arg1[%get3A_570, %get3A_571, %get3A_572] : memref<16x64x128xf32, #tpu.memory_space<vmem>>, vector<16x1x32xf32>
    %get3A_574 = vector.shape_cast %get3A_573 : vector<16x1x32xf32> to vector<16x32xf32>
    %get3A_575 = arith.constant 960 : index
    %get3A_576 = arith.constant 0 : index
    %get3A_577 = vector.load %arg3[%get3A_575, %get3A_576] : memref<2048x512xf32, #tpu.memory_space<vmem>>, vector<32x512xf32>
    %dot_general3A_578 = arith.constant dense<0.000000e+00> : vector<16x512xf32>
    %dot_general3A_579 = tpu.matmul %get3A_574, %get3A_577, %dot_general3A_578 {dimension_numbers = #tpu.dot_dimension_numbers<[1], [0], [0], [1], [0, 0, 1, 1], [], []>, transpose_lhs_hint = false} : vector<16x32xf32>, vector<32x512xf32>, vector<16x512xf32> -> vector<16x512xf32>
    %add3A_580 = arith.addf %add3A_561, %dot_general3A_579 : vector<16x512xf32>
    %get3A_581 = arith.constant 0 : index
    %get3A_582 = arith.constant 30 : index
    %get3A_583 = arith.constant 0 : index
    %get3A_584 = vector.load %arg2[%get3A_581, %get3A_582, %get3A_583] : memref<16x64x32xf32, #tpu.memory_space<vmem>>, vector<16x1x32xf32>
    %get3A_585 = vector.shape_cast %get3A_584 : vector<16x1x32xf32> to vector<16x32xf32>
    %sub3A_586 = arith.subf %get3A_574, %get3A_585 : vector<16x32xf32>
    %mul3A_587 = arith.mulf %sub3A_586, %sub3A_586 : vector<16x32xf32>
    %add3A_588 = arith.addf %add3A_569, %mul3A_587 : vector<16x32xf32>
    %get3A_589 = arith.constant 0 : index
    %get3A_590 = arith.constant 31 : index
    %get3A_591 = arith.constant 0 : index
    %get3A_592 = vector.load %arg1[%get3A_589, %get3A_590, %get3A_591] : memref<16x64x128xf32, #tpu.memory_space<vmem>>, vector<16x1x32xf32>
    %get3A_593 = vector.shape_cast %get3A_592 : vector<16x1x32xf32> to vector<16x32xf32>
    %get3A_594 = arith.constant 992 : index
    %get3A_595 = arith.constant 0 : index
    %get3A_596 = vector.load %arg3[%get3A_594, %get3A_595] : memref<2048x512xf32, #tpu.memory_space<vmem>>, vector<32x512xf32>
    %dot_general3A_597 = arith.constant dense<0.000000e+00> : vector<16x512xf32>
    %dot_general3A_598 = tpu.matmul %get3A_593, %get3A_596, %dot_general3A_597 {dimension_numbers = #tpu.dot_dimension_numbers<[1], [0], [0], [1], [0, 0, 1, 1], [], []>, transpose_lhs_hint = false} : vector<16x32xf32>, vector<32x512xf32>, vector<16x512xf32> -> vector<16x512xf32>
    %add3A_599 = arith.addf %add3A_580, %dot_general3A_598 : vector<16x512xf32>
    %get3A_600 = arith.constant 0 : index
    %get3A_601 = arith.constant 31 : index
    %get3A_602 = arith.constant 0 : index
    %get3A_603 = vector.load %arg2[%get3A_600, %get3A_601, %get3A_602] : memref<16x64x32xf32, #tpu.memory_space<vmem>>, vector<16x1x32xf32>
    %get3A_604 = vector.shape_cast %get3A_603 : vector<16x1x32xf32> to vector<16x32xf32>
    %sub3A_605 = arith.subf %get3A_593, %get3A_604 : vector<16x32xf32>
    %mul3A_606 = arith.mulf %sub3A_605, %sub3A_605 : vector<16x32xf32>
    %add3A_607 = arith.addf %add3A_588, %mul3A_606 : vector<16x32xf32>
    %get3A_608 = arith.constant 0 : index
    %get3A_609 = arith.constant 32 : index
    %get3A_610 = arith.constant 0 : index
    %get3A_611 = vector.load %arg1[%get3A_608, %get3A_609, %get3A_610] : memref<16x64x128xf32, #tpu.memory_space<vmem>>, vector<16x1x32xf32>
    %get3A_612 = vector.shape_cast %get3A_611 : vector<16x1x32xf32> to vector<16x32xf32>
    %get3A_613 = arith.constant 1024 : index
    %get3A_614 = arith.constant 0 : index
    %get3A_615 = vector.load %arg3[%get3A_613, %get3A_614] : memref<2048x512xf32, #tpu.memory_space<vmem>>, vector<32x512xf32>
    %dot_general3A_616 = arith.constant dense<0.000000e+00> : vector<16x512xf32>
    %dot_general3A_617 = tpu.matmul %get3A_612, %get3A_615, %dot_general3A_616 {dimension_numbers = #tpu.dot_dimension_numbers<[1], [0], [0], [1], [0, 0, 1, 1], [], []>, transpose_lhs_hint = false} : vector<16x32xf32>, vector<32x512xf32>, vector<16x512xf32> -> vector<16x512xf32>
    %add3A_618 = arith.addf %add3A_599, %dot_general3A_617 : vector<16x512xf32>
    %get3A_619 = arith.constant 0 : index
    %get3A_620 = arith.constant 32 : index
    %get3A_621 = arith.constant 0 : index
    %get3A_622 = vector.load %arg2[%get3A_619, %get3A_620, %get3A_621] : memref<16x64x32xf32, #tpu.memory_space<vmem>>, vector<16x1x32xf32>
    %get3A_623 = vector.shape_cast %get3A_622 : vector<16x1x32xf32> to vector<16x32xf32>
    %sub3A_624 = arith.subf %get3A_612, %get3A_623 : vector<16x32xf32>
    %mul3A_625 = arith.mulf %sub3A_624, %sub3A_624 : vector<16x32xf32>
    %add3A_626 = arith.addf %add3A_607, %mul3A_625 : vector<16x32xf32>
    %get3A_627 = arith.constant 0 : index
    %get3A_628 = arith.constant 33 : index
    %get3A_629 = arith.constant 0 : index
    %get3A_630 = vector.load %arg1[%get3A_627, %get3A_628, %get3A_629] : memref<16x64x128xf32, #tpu.memory_space<vmem>>, vector<16x1x32xf32>
    %get3A_631 = vector.shape_cast %get3A_630 : vector<16x1x32xf32> to vector<16x32xf32>
    %get3A_632 = arith.constant 1056 : index
    %get3A_633 = arith.constant 0 : index
    %get3A_634 = vector.load %arg3[%get3A_632, %get3A_633] : memref<2048x512xf32, #tpu.memory_space<vmem>>, vector<32x512xf32>
    %dot_general3A_635 = arith.constant dense<0.000000e+00> : vector<16x512xf32>
    %dot_general3A_636 = tpu.matmul %get3A_631, %get3A_634, %dot_general3A_635 {dimension_numbers = #tpu.dot_dimension_numbers<[1], [0], [0], [1], [0, 0, 1, 1], [], []>, transpose_lhs_hint = false} : vector<16x32xf32>, vector<32x512xf32>, vector<16x512xf32> -> vector<16x512xf32>
    %add3A_637 = arith.addf %add3A_618, %dot_general3A_636 : vector<16x512xf32>
    %get3A_638 = arith.constant 0 : index
    %get3A_639 = arith.constant 33 : index
    %get3A_640 = arith.constant 0 : index
    %get3A_641 = vector.load %arg2[%get3A_638, %get3A_639, %get3A_640] : memref<16x64x32xf32, #tpu.memory_space<vmem>>, vector<16x1x32xf32>
    %get3A_642 = vector.shape_cast %get3A_641 : vector<16x1x32xf32> to vector<16x32xf32>
    %sub3A_643 = arith.subf %get3A_631, %get3A_642 : vector<16x32xf32>
    %mul3A_644 = arith.mulf %sub3A_643, %sub3A_643 : vector<16x32xf32>
    %add3A_645 = arith.addf %add3A_626, %mul3A_644 : vector<16x32xf32>
    %get3A_646 = arith.constant 0 : index
    %get3A_647 = arith.constant 34 : index
    %get3A_648 = arith.constant 0 : index
    %get3A_649 = vector.load %arg1[%get3A_646, %get3A_647, %get3A_648] : memref<16x64x128xf32, #tpu.memory_space<vmem>>, vector<16x1x32xf32>
    %get3A_650 = vector.shape_cast %get3A_649 : vector<16x1x32xf32> to vector<16x32xf32>
    %get3A_651 = arith.constant 1088 : index
    %get3A_652 = arith.constant 0 : index
    %get3A_653 = vector.load %arg3[%get3A_651, %get3A_652] : memref<2048x512xf32, #tpu.memory_space<vmem>>, vector<32x512xf32>
    %dot_general3A_654 = arith.constant dense<0.000000e+00> : vector<16x512xf32>
    %dot_general3A_655 = tpu.matmul %get3A_650, %get3A_653, %dot_general3A_654 {dimension_numbers = #tpu.dot_dimension_numbers<[1], [0], [0], [1], [0, 0, 1, 1], [], []>, transpose_lhs_hint = false} : vector<16x32xf32>, vector<32x512xf32>, vector<16x512xf32> -> vector<16x512xf32>
    %add3A_656 = arith.addf %add3A_637, %dot_general3A_655 : vector<16x512xf32>
    %get3A_657 = arith.constant 0 : index
    %get3A_658 = arith.constant 34 : index
    %get3A_659 = arith.constant 0 : index
    %get3A_660 = vector.load %arg2[%get3A_657, %get3A_658, %get3A_659] : memref<16x64x32xf32, #tpu.memory_space<vmem>>, vector<16x1x32xf32>
    %get3A_661 = vector.shape_cast %get3A_660 : vector<16x1x32xf32> to vector<16x32xf32>
    %sub3A_662 = arith.subf %get3A_650, %get3A_661 : vector<16x32xf32>
    %mul3A_663 = arith.mulf %sub3A_662, %sub3A_662 : vector<16x32xf32>
    %add3A_664 = arith.addf %add3A_645, %mul3A_663 : vector<16x32xf32>
    %get3A_665 = arith.constant 0 : index
    %get3A_666 = arith.constant 35 : index
    %get3A_667 = arith.constant 0 : index
    %get3A_668 = vector.load %arg1[%get3A_665, %get3A_666, %get3A_667] : memref<16x64x128xf32, #tpu.memory_space<vmem>>, vector<16x1x32xf32>
    %get3A_669 = vector.shape_cast %get3A_668 : vector<16x1x32xf32> to vector<16x32xf32>
    %get3A_670 = arith.constant 1120 : index
    %get3A_671 = arith.constant 0 : index
    %get3A_672 = vector.load %arg3[%get3A_670, %get3A_671] : memref<2048x512xf32, #tpu.memory_space<vmem>>, vector<32x512xf32>
    %dot_general3A_673 = arith.constant dense<0.000000e+00> : vector<16x512xf32>
    %dot_general3A_674 = tpu.matmul %get3A_669, %get3A_672, %dot_general3A_673 {dimension_numbers = #tpu.dot_dimension_numbers<[1], [0], [0], [1], [0, 0, 1, 1], [], []>, transpose_lhs_hint = false} : vector<16x32xf32>, vector<32x512xf32>, vector<16x512xf32> -> vector<16x512xf32>
    %add3A_675 = arith.addf %add3A_656, %dot_general3A_674 : vector<16x512xf32>
    %get3A_676 = arith.constant 0 : index
    %get3A_677 = arith.constant 35 : index
    %get3A_678 = arith.constant 0 : index
    %get3A_679 = vector.load %arg2[%get3A_676, %get3A_677, %get3A_678] : memref<16x64x32xf32, #tpu.memory_space<vmem>>, vector<16x1x32xf32>
    %get3A_680 = vector.shape_cast %get3A_679 : vector<16x1x32xf32> to vector<16x32xf32>
    %sub3A_681 = arith.subf %get3A_669, %get3A_680 : vector<16x32xf32>
    %mul3A_682 = arith.mulf %sub3A_681, %sub3A_681 : vector<16x32xf32>
    %add3A_683 = arith.addf %add3A_664, %mul3A_682 : vector<16x32xf32>
    %get3A_684 = arith.constant 0 : index
    %get3A_685 = arith.constant 36 : index
    %get3A_686 = arith.constant 0 : index
    %get3A_687 = vector.load %arg1[%get3A_684, %get3A_685, %get3A_686] : memref<16x64x128xf32, #tpu.memory_space<vmem>>, vector<16x1x32xf32>
    %get3A_688 = vector.shape_cast %get3A_687 : vector<16x1x32xf32> to vector<16x32xf32>
    %get3A_689 = arith.constant 1152 : index
    %get3A_690 = arith.constant 0 : index
    %get3A_691 = vector.load %arg3[%get3A_689, %get3A_690] : memref<2048x512xf32, #tpu.memory_space<vmem>>, vector<32x512xf32>
    %dot_general3A_692 = arith.constant dense<0.000000e+00> : vector<16x512xf32>
    %dot_general3A_693 = tpu.matmul %get3A_688, %get3A_691, %dot_general3A_692 {dimension_numbers = #tpu.dot_dimension_numbers<[1], [0], [0], [1], [0, 0, 1, 1], [], []>, transpose_lhs_hint = false} : vector<16x32xf32>, vector<32x512xf32>, vector<16x512xf32> -> vector<16x512xf32>
    %add3A_694 = arith.addf %add3A_675, %dot_general3A_693 : vector<16x512xf32>
    %get3A_695 = arith.constant 0 : index
    %get3A_696 = arith.constant 36 : index
    %get3A_697 = arith.constant 0 : index
    %get3A_698 = vector.load %arg2[%get3A_695, %get3A_696, %get3A_697] : memref<16x64x32xf32, #tpu.memory_space<vmem>>, vector<16x1x32xf32>
    %get3A_699 = vector.shape_cast %get3A_698 : vector<16x1x32xf32> to vector<16x32xf32>
    %sub3A_700 = arith.subf %get3A_688, %get3A_699 : vector<16x32xf32>
    %mul3A_701 = arith.mulf %sub3A_700, %sub3A_700 : vector<16x32xf32>
    %add3A_702 = arith.addf %add3A_683, %mul3A_701 : vector<16x32xf32>
    %get3A_703 = arith.constant 0 : index
    %get3A_704 = arith.constant 37 : index
    %get3A_705 = arith.constant 0 : index
    %get3A_706 = vector.load %arg1[%get3A_703, %get3A_704, %get3A_705] : memref<16x64x128xf32, #tpu.memory_space<vmem>>, vector<16x1x32xf32>
    %get3A_707 = vector.shape_cast %get3A_706 : vector<16x1x32xf32> to vector<16x32xf32>
    %get3A_708 = arith.constant 1184 : index
    %get3A_709 = arith.constant 0 : index
    %get3A_710 = vector.load %arg3[%get3A_708, %get3A_709] : memref<2048x512xf32, #tpu.memory_space<vmem>>, vector<32x512xf32>
    %dot_general3A_711 = arith.constant dense<0.000000e+00> : vector<16x512xf32>
    %dot_general3A_712 = tpu.matmul %get3A_707, %get3A_710, %dot_general3A_711 {dimension_numbers = #tpu.dot_dimension_numbers<[1], [0], [0], [1], [0, 0, 1, 1], [], []>, transpose_lhs_hint = false} : vector<16x32xf32>, vector<32x512xf32>, vector<16x512xf32> -> vector<16x512xf32>
    %add3A_713 = arith.addf %add3A_694, %dot_general3A_712 : vector<16x512xf32>
    %get3A_714 = arith.constant 0 : index
    %get3A_715 = arith.constant 37 : index
    %get3A_716 = arith.constant 0 : index
    %get3A_717 = vector.load %arg2[%get3A_714, %get3A_715, %get3A_716] : memref<16x64x32xf32, #tpu.memory_space<vmem>>, vector<16x1x32xf32>
    %get3A_718 = vector.shape_cast %get3A_717 : vector<16x1x32xf32> to vector<16x32xf32>
    %sub3A_719 = arith.subf %get3A_707, %get3A_718 : vector<16x32xf32>
    %mul3A_720 = arith.mulf %sub3A_719, %sub3A_719 : vector<16x32xf32>
    %add3A_721 = arith.addf %add3A_702, %mul3A_720 : vector<16x32xf32>
    %get3A_722 = arith.constant 0 : index
    %get3A_723 = arith.constant 38 : index
    %get3A_724 = arith.constant 0 : index
    %get3A_725 = vector.load %arg1[%get3A_722, %get3A_723, %get3A_724] : memref<16x64x128xf32, #tpu.memory_space<vmem>>, vector<16x1x32xf32>
    %get3A_726 = vector.shape_cast %get3A_725 : vector<16x1x32xf32> to vector<16x32xf32>
    %get3A_727 = arith.constant 1216 : index
    %get3A_728 = arith.constant 0 : index
    %get3A_729 = vector.load %arg3[%get3A_727, %get3A_728] : memref<2048x512xf32, #tpu.memory_space<vmem>>, vector<32x512xf32>
    %dot_general3A_730 = arith.constant dense<0.000000e+00> : vector<16x512xf32>
    %dot_general3A_731 = tpu.matmul %get3A_726, %get3A_729, %dot_general3A_730 {dimension_numbers = #tpu.dot_dimension_numbers<[1], [0], [0], [1], [0, 0, 1, 1], [], []>, transpose_lhs_hint = false} : vector<16x32xf32>, vector<32x512xf32>, vector<16x512xf32> -> vector<16x512xf32>
    %add3A_732 = arith.addf %add3A_713, %dot_general3A_731 : vector<16x512xf32>
    %get3A_733 = arith.constant 0 : index
    %get3A_734 = arith.constant 38 : index
    %get3A_735 = arith.constant 0 : index
    %get3A_736 = vector.load %arg2[%get3A_733, %get3A_734, %get3A_735] : memref<16x64x32xf32, #tpu.memory_space<vmem>>, vector<16x1x32xf32>
    %get3A_737 = vector.shape_cast %get3A_736 : vector<16x1x32xf32> to vector<16x32xf32>
    %sub3A_738 = arith.subf %get3A_726, %get3A_737 : vector<16x32xf32>
    %mul3A_739 = arith.mulf %sub3A_738, %sub3A_738 : vector<16x32xf32>
    %add3A_740 = arith.addf %add3A_721, %mul3A_739 : vector<16x32xf32>
    %get3A_741 = arith.constant 0 : index
    %get3A_742 = arith.constant 39 : index
    %get3A_743 = arith.constant 0 : index
    %get3A_744 = vector.load %arg1[%get3A_741, %get3A_742, %get3A_743] : memref<16x64x128xf32, #tpu.memory_space<vmem>>, vector<16x1x32xf32>
    %get3A_745 = vector.shape_cast %get3A_744 : vector<16x1x32xf32> to vector<16x32xf32>
    %get3A_746 = arith.constant 1248 : index
    %get3A_747 = arith.constant 0 : index
    %get3A_748 = vector.load %arg3[%get3A_746, %get3A_747] : memref<2048x512xf32, #tpu.memory_space<vmem>>, vector<32x512xf32>
    %dot_general3A_749 = arith.constant dense<0.000000e+00> : vector<16x512xf32>
    %dot_general3A_750 = tpu.matmul %get3A_745, %get3A_748, %dot_general3A_749 {dimension_numbers = #tpu.dot_dimension_numbers<[1], [0], [0], [1], [0, 0, 1, 1], [], []>, transpose_lhs_hint = false} : vector<16x32xf32>, vector<32x512xf32>, vector<16x512xf32> -> vector<16x512xf32>
    %add3A_751 = arith.addf %add3A_732, %dot_general3A_750 : vector<16x512xf32>
    %get3A_752 = arith.constant 0 : index
    %get3A_753 = arith.constant 39 : index
    %get3A_754 = arith.constant 0 : index
    %get3A_755 = vector.load %arg2[%get3A_752, %get3A_753, %get3A_754] : memref<16x64x32xf32, #tpu.memory_space<vmem>>, vector<16x1x32xf32>
    %get3A_756 = vector.shape_cast %get3A_755 : vector<16x1x32xf32> to vector<16x32xf32>
    %sub3A_757 = arith.subf %get3A_745, %get3A_756 : vector<16x32xf32>
    %mul3A_758 = arith.mulf %sub3A_757, %sub3A_757 : vector<16x32xf32>
    %add3A_759 = arith.addf %add3A_740, %mul3A_758 : vector<16x32xf32>
    %get3A_760 = arith.constant 0 : index
    %get3A_761 = arith.constant 40 : index
    %get3A_762 = arith.constant 0 : index
    %get3A_763 = vector.load %arg1[%get3A_760, %get3A_761, %get3A_762] : memref<16x64x128xf32, #tpu.memory_space<vmem>>, vector<16x1x32xf32>
    %get3A_764 = vector.shape_cast %get3A_763 : vector<16x1x32xf32> to vector<16x32xf32>
    %get3A_765 = arith.constant 1280 : index
    %get3A_766 = arith.constant 0 : index
    %get3A_767 = vector.load %arg3[%get3A_765, %get3A_766] : memref<2048x512xf32, #tpu.memory_space<vmem>>, vector<32x512xf32>
    %dot_general3A_768 = arith.constant dense<0.000000e+00> : vector<16x512xf32>
    %dot_general3A_769 = tpu.matmul %get3A_764, %get3A_767, %dot_general3A_768 {dimension_numbers = #tpu.dot_dimension_numbers<[1], [0], [0], [1], [0, 0, 1, 1], [], []>, transpose_lhs_hint = false} : vector<16x32xf32>, vector<32x512xf32>, vector<16x512xf32> -> vector<16x512xf32>
    %add3A_770 = arith.addf %add3A_751, %dot_general3A_769 : vector<16x512xf32>
    %get3A_771 = arith.constant 0 : index
    %get3A_772 = arith.constant 40 : index
    %get3A_773 = arith.constant 0 : index
    %get3A_774 = vector.load %arg2[%get3A_771, %get3A_772, %get3A_773] : memref<16x64x32xf32, #tpu.memory_space<vmem>>, vector<16x1x32xf32>
    %get3A_775 = vector.shape_cast %get3A_774 : vector<16x1x32xf32> to vector<16x32xf32>
    %sub3A_776 = arith.subf %get3A_764, %get3A_775 : vector<16x32xf32>
    %mul3A_777 = arith.mulf %sub3A_776, %sub3A_776 : vector<16x32xf32>
    %add3A_778 = arith.addf %add3A_759, %mul3A_777 : vector<16x32xf32>
    %get3A_779 = arith.constant 0 : index
    %get3A_780 = arith.constant 41 : index
    %get3A_781 = arith.constant 0 : index
    %get3A_782 = vector.load %arg1[%get3A_779, %get3A_780, %get3A_781] : memref<16x64x128xf32, #tpu.memory_space<vmem>>, vector<16x1x32xf32>
    %get3A_783 = vector.shape_cast %get3A_782 : vector<16x1x32xf32> to vector<16x32xf32>
    %get3A_784 = arith.constant 1312 : index
    %get3A_785 = arith.constant 0 : index
    %get3A_786 = vector.load %arg3[%get3A_784, %get3A_785] : memref<2048x512xf32, #tpu.memory_space<vmem>>, vector<32x512xf32>
    %dot_general3A_787 = arith.constant dense<0.000000e+00> : vector<16x512xf32>
    %dot_general3A_788 = tpu.matmul %get3A_783, %get3A_786, %dot_general3A_787 {dimension_numbers = #tpu.dot_dimension_numbers<[1], [0], [0], [1], [0, 0, 1, 1], [], []>, transpose_lhs_hint = false} : vector<16x32xf32>, vector<32x512xf32>, vector<16x512xf32> -> vector<16x512xf32>
    %add3A_789 = arith.addf %add3A_770, %dot_general3A_788 : vector<16x512xf32>
    %get3A_790 = arith.constant 0 : index
    %get3A_791 = arith.constant 41 : index
    %get3A_792 = arith.constant 0 : index
    %get3A_793 = vector.load %arg2[%get3A_790, %get3A_791, %get3A_792] : memref<16x64x32xf32, #tpu.memory_space<vmem>>, vector<16x1x32xf32>
    %get3A_794 = vector.shape_cast %get3A_793 : vector<16x1x32xf32> to vector<16x32xf32>
    %sub3A_795 = arith.subf %get3A_783, %get3A_794 : vector<16x32xf32>
    %mul3A_796 = arith.mulf %sub3A_795, %sub3A_795 : vector<16x32xf32>
    %add3A_797 = arith.addf %add3A_778, %mul3A_796 : vector<16x32xf32>
    %get3A_798 = arith.constant 0 : index
    %get3A_799 = arith.constant 42 : index
    %get3A_800 = arith.constant 0 : index
    %get3A_801 = vector.load %arg1[%get3A_798, %get3A_799, %get3A_800] : memref<16x64x128xf32, #tpu.memory_space<vmem>>, vector<16x1x32xf32>
    %get3A_802 = vector.shape_cast %get3A_801 : vector<16x1x32xf32> to vector<16x32xf32>
    %get3A_803 = arith.constant 1344 : index
    %get3A_804 = arith.constant 0 : index
    %get3A_805 = vector.load %arg3[%get3A_803, %get3A_804] : memref<2048x512xf32, #tpu.memory_space<vmem>>, vector<32x512xf32>
    %dot_general3A_806 = arith.constant dense<0.000000e+00> : vector<16x512xf32>
    %dot_general3A_807 = tpu.matmul %get3A_802, %get3A_805, %dot_general3A_806 {dimension_numbers = #tpu.dot_dimension_numbers<[1], [0], [0], [1], [0, 0, 1, 1], [], []>, transpose_lhs_hint = false} : vector<16x32xf32>, vector<32x512xf32>, vector<16x512xf32> -> vector<16x512xf32>
    %add3A_808 = arith.addf %add3A_789, %dot_general3A_807 : vector<16x512xf32>
    %get3A_809 = arith.constant 0 : index
    %get3A_810 = arith.constant 42 : index
    %get3A_811 = arith.constant 0 : index
    %get3A_812 = vector.load %arg2[%get3A_809, %get3A_810, %get3A_811] : memref<16x64x32xf32, #tpu.memory_space<vmem>>, vector<16x1x32xf32>
    %get3A_813 = vector.shape_cast %get3A_812 : vector<16x1x32xf32> to vector<16x32xf32>
    %sub3A_814 = arith.subf %get3A_802, %get3A_813 : vector<16x32xf32>
    %mul3A_815 = arith.mulf %sub3A_814, %sub3A_814 : vector<16x32xf32>
    %add3A_816 = arith.addf %add3A_797, %mul3A_815 : vector<16x32xf32>
    %get3A_817 = arith.constant 0 : index
    %get3A_818 = arith.constant 43 : index
    %get3A_819 = arith.constant 0 : index
    %get3A_820 = vector.load %arg1[%get3A_817, %get3A_818, %get3A_819] : memref<16x64x128xf32, #tpu.memory_space<vmem>>, vector<16x1x32xf32>
    %get3A_821 = vector.shape_cast %get3A_820 : vector<16x1x32xf32> to vector<16x32xf32>
    %get3A_822 = arith.constant 1376 : index
    %get3A_823 = arith.constant 0 : index
    %get3A_824 = vector.load %arg3[%get3A_822, %get3A_823] : memref<2048x512xf32, #tpu.memory_space<vmem>>, vector<32x512xf32>
    %dot_general3A_825 = arith.constant dense<0.000000e+00> : vector<16x512xf32>
    %dot_general3A_826 = tpu.matmul %get3A_821, %get3A_824, %dot_general3A_825 {dimension_numbers = #tpu.dot_dimension_numbers<[1], [0], [0], [1], [0, 0, 1, 1], [], []>, transpose_lhs_hint = false} : vector<16x32xf32>, vector<32x512xf32>, vector<16x512xf32> -> vector<16x512xf32>
    %add3A_827 = arith.addf %add3A_808, %dot_general3A_826 : vector<16x512xf32>
    %get3A_828 = arith.constant 0 : index
    %get3A_829 = arith.constant 43 : index
    %get3A_830 = arith.constant 0 : index
    %get3A_831 = vector.load %arg2[%get3A_828, %get3A_829, %get3A_830] : memref<16x64x32xf32, #tpu.memory_space<vmem>>, vector<16x1x32xf32>
    %get3A_832 = vector.shape_cast %get3A_831 : vector<16x1x32xf32> to vector<16x32xf32>
    %sub3A_833 = arith.subf %get3A_821, %get3A_832 : vector<16x32xf32>
    %mul3A_834 = arith.mulf %sub3A_833, %sub3A_833 : vector<16x32xf32>
    %add3A_835 = arith.addf %add3A_816, %mul3A_834 : vector<16x32xf32>
    %get3A_836 = arith.constant 0 : index
    %get3A_837 = arith.constant 44 : index
    %get3A_838 = arith.constant 0 : index
    %get3A_839 = vector.load %arg1[%get3A_836, %get3A_837, %get3A_838] : memref<16x64x128xf32, #tpu.memory_space<vmem>>, vector<16x1x32xf32>
    %get3A_840 = vector.shape_cast %get3A_839 : vector<16x1x32xf32> to vector<16x32xf32>
    %get3A_841 = arith.constant 1408 : index
    %get3A_842 = arith.constant 0 : index
    %get3A_843 = vector.load %arg3[%get3A_841, %get3A_842] : memref<2048x512xf32, #tpu.memory_space<vmem>>, vector<32x512xf32>
    %dot_general3A_844 = arith.constant dense<0.000000e+00> : vector<16x512xf32>
    %dot_general3A_845 = tpu.matmul %get3A_840, %get3A_843, %dot_general3A_844 {dimension_numbers = #tpu.dot_dimension_numbers<[1], [0], [0], [1], [0, 0, 1, 1], [], []>, transpose_lhs_hint = false} : vector<16x32xf32>, vector<32x512xf32>, vector<16x512xf32> -> vector<16x512xf32>
    %add3A_846 = arith.addf %add3A_827, %dot_general3A_845 : vector<16x512xf32>
    %get3A_847 = arith.constant 0 : index
    %get3A_848 = arith.constant 44 : index
    %get3A_849 = arith.constant 0 : index
    %get3A_850 = vector.load %arg2[%get3A_847, %get3A_848, %get3A_849] : memref<16x64x32xf32, #tpu.memory_space<vmem>>, vector<16x1x32xf32>
    %get3A_851 = vector.shape_cast %get3A_850 : vector<16x1x32xf32> to vector<16x32xf32>
    %sub3A_852 = arith.subf %get3A_840, %get3A_851 : vector<16x32xf32>
    %mul3A_853 = arith.mulf %sub3A_852, %sub3A_852 : vector<16x32xf32>
    %add3A_854 = arith.addf %add3A_835, %mul3A_853 : vector<16x32xf32>
    %get3A_855 = arith.constant 0 : index
    %get3A_856 = arith.constant 45 : index
    %get3A_857 = arith.constant 0 : index
    %get3A_858 = vector.load %arg1[%get3A_855, %get3A_856, %get3A_857] : memref<16x64x128xf32, #tpu.memory_space<vmem>>, vector<16x1x32xf32>
    %get3A_859 = vector.shape_cast %get3A_858 : vector<16x1x32xf32> to vector<16x32xf32>
    %get3A_860 = arith.constant 1440 : index
    %get3A_861 = arith.constant 0 : index
    %get3A_862 = vector.load %arg3[%get3A_860, %get3A_861] : memref<2048x512xf32, #tpu.memory_space<vmem>>, vector<32x512xf32>
    %dot_general3A_863 = arith.constant dense<0.000000e+00> : vector<16x512xf32>
    %dot_general3A_864 = tpu.matmul %get3A_859, %get3A_862, %dot_general3A_863 {dimension_numbers = #tpu.dot_dimension_numbers<[1], [0], [0], [1], [0, 0, 1, 1], [], []>, transpose_lhs_hint = false} : vector<16x32xf32>, vector<32x512xf32>, vector<16x512xf32> -> vector<16x512xf32>
    %add3A_865 = arith.addf %add3A_846, %dot_general3A_864 : vector<16x512xf32>
    %get3A_866 = arith.constant 0 : index
    %get3A_867 = arith.constant 45 : index
    %get3A_868 = arith.constant 0 : index
    %get3A_869 = vector.load %arg2[%get3A_866, %get3A_867, %get3A_868] : memref<16x64x32xf32, #tpu.memory_space<vmem>>, vector<16x1x32xf32>
    %get3A_870 = vector.shape_cast %get3A_869 : vector<16x1x32xf32> to vector<16x32xf32>
    %sub3A_871 = arith.subf %get3A_859, %get3A_870 : vector<16x32xf32>
    %mul3A_872 = arith.mulf %sub3A_871, %sub3A_871 : vector<16x32xf32>
    %add3A_873 = arith.addf %add3A_854, %mul3A_872 : vector<16x32xf32>
    %get3A_874 = arith.constant 0 : index
    %get3A_875 = arith.constant 46 : index
    %get3A_876 = arith.constant 0 : index
    %get3A_877 = vector.load %arg1[%get3A_874, %get3A_875, %get3A_876] : memref<16x64x128xf32, #tpu.memory_space<vmem>>, vector<16x1x32xf32>
    %get3A_878 = vector.shape_cast %get3A_877 : vector<16x1x32xf32> to vector<16x32xf32>
    %get3A_879 = arith.constant 1472 : index
    %get3A_880 = arith.constant 0 : index
    %get3A_881 = vector.load %arg3[%get3A_879, %get3A_880] : memref<2048x512xf32, #tpu.memory_space<vmem>>, vector<32x512xf32>
    %dot_general3A_882 = arith.constant dense<0.000000e+00> : vector<16x512xf32>
    %dot_general3A_883 = tpu.matmul %get3A_878, %get3A_881, %dot_general3A_882 {dimension_numbers = #tpu.dot_dimension_numbers<[1], [0], [0], [1], [0, 0, 1, 1], [], []>, transpose_lhs_hint = false} : vector<16x32xf32>, vector<32x512xf32>, vector<16x512xf32> -> vector<16x512xf32>
    %add3A_884 = arith.addf %add3A_865, %dot_general3A_883 : vector<16x512xf32>
    %get3A_885 = arith.constant 0 : index
    %get3A_886 = arith.constant 46 : index
    %get3A_887 = arith.constant 0 : index
    %get3A_888 = vector.load %arg2[%get3A_885, %get3A_886, %get3A_887] : memref<16x64x32xf32, #tpu.memory_space<vmem>>, vector<16x1x32xf32>
    %get3A_889 = vector.shape_cast %get3A_888 : vector<16x1x32xf32> to vector<16x32xf32>
    %sub3A_890 = arith.subf %get3A_878, %get3A_889 : vector<16x32xf32>
    %mul3A_891 = arith.mulf %sub3A_890, %sub3A_890 : vector<16x32xf32>
    %add3A_892 = arith.addf %add3A_873, %mul3A_891 : vector<16x32xf32>
    %get3A_893 = arith.constant 0 : index
    %get3A_894 = arith.constant 47 : index
    %get3A_895 = arith.constant 0 : index
    %get3A_896 = vector.load %arg1[%get3A_893, %get3A_894, %get3A_895] : memref<16x64x128xf32, #tpu.memory_space<vmem>>, vector<16x1x32xf32>
    %get3A_897 = vector.shape_cast %get3A_896 : vector<16x1x32xf32> to vector<16x32xf32>
    %get3A_898 = arith.constant 1504 : index
    %get3A_899 = arith.constant 0 : index
    %get3A_900 = vector.load %arg3[%get3A_898, %get3A_899] : memref<2048x512xf32, #tpu.memory_space<vmem>>, vector<32x512xf32>
    %dot_general3A_901 = arith.constant dense<0.000000e+00> : vector<16x512xf32>
    %dot_general3A_902 = tpu.matmul %get3A_897, %get3A_900, %dot_general3A_901 {dimension_numbers = #tpu.dot_dimension_numbers<[1], [0], [0], [1], [0, 0, 1, 1], [], []>, transpose_lhs_hint = false} : vector<16x32xf32>, vector<32x512xf32>, vector<16x512xf32> -> vector<16x512xf32>
    %add3A_903 = arith.addf %add3A_884, %dot_general3A_902 : vector<16x512xf32>
    %get3A_904 = arith.constant 0 : index
    %get3A_905 = arith.constant 47 : index
    %get3A_906 = arith.constant 0 : index
    %get3A_907 = vector.load %arg2[%get3A_904, %get3A_905, %get3A_906] : memref<16x64x32xf32, #tpu.memory_space<vmem>>, vector<16x1x32xf32>
    %get3A_908 = vector.shape_cast %get3A_907 : vector<16x1x32xf32> to vector<16x32xf32>
    %sub3A_909 = arith.subf %get3A_897, %get3A_908 : vector<16x32xf32>
    %mul3A_910 = arith.mulf %sub3A_909, %sub3A_909 : vector<16x32xf32>
    %add3A_911 = arith.addf %add3A_892, %mul3A_910 : vector<16x32xf32>
    %get3A_912 = arith.constant 0 : index
    %get3A_913 = arith.constant 48 : index
    %get3A_914 = arith.constant 0 : index
    %get3A_915 = vector.load %arg1[%get3A_912, %get3A_913, %get3A_914] : memref<16x64x128xf32, #tpu.memory_space<vmem>>, vector<16x1x32xf32>
    %get3A_916 = vector.shape_cast %get3A_915 : vector<16x1x32xf32> to vector<16x32xf32>
    %get3A_917 = arith.constant 1536 : index
    %get3A_918 = arith.constant 0 : index
    %get3A_919 = vector.load %arg3[%get3A_917, %get3A_918] : memref<2048x512xf32, #tpu.memory_space<vmem>>, vector<32x512xf32>
    %dot_general3A_920 = arith.constant dense<0.000000e+00> : vector<16x512xf32>
    %dot_general3A_921 = tpu.matmul %get3A_916, %get3A_919, %dot_general3A_920 {dimension_numbers = #tpu.dot_dimension_numbers<[1], [0], [0], [1], [0, 0, 1, 1], [], []>, transpose_lhs_hint = false} : vector<16x32xf32>, vector<32x512xf32>, vector<16x512xf32> -> vector<16x512xf32>
    %add3A_922 = arith.addf %add3A_903, %dot_general3A_921 : vector<16x512xf32>
    %get3A_923 = arith.constant 0 : index
    %get3A_924 = arith.constant 48 : index
    %get3A_925 = arith.constant 0 : index
    %get3A_926 = vector.load %arg2[%get3A_923, %get3A_924, %get3A_925] : memref<16x64x32xf32, #tpu.memory_space<vmem>>, vector<16x1x32xf32>
    %get3A_927 = vector.shape_cast %get3A_926 : vector<16x1x32xf32> to vector<16x32xf32>
    %sub3A_928 = arith.subf %get3A_916, %get3A_927 : vector<16x32xf32>
    %mul3A_929 = arith.mulf %sub3A_928, %sub3A_928 : vector<16x32xf32>
    %add3A_930 = arith.addf %add3A_911, %mul3A_929 : vector<16x32xf32>
    %get3A_931 = arith.constant 0 : index
    %get3A_932 = arith.constant 49 : index
    %get3A_933 = arith.constant 0 : index
    %get3A_934 = vector.load %arg1[%get3A_931, %get3A_932, %get3A_933] : memref<16x64x128xf32, #tpu.memory_space<vmem>>, vector<16x1x32xf32>
    %get3A_935 = vector.shape_cast %get3A_934 : vector<16x1x32xf32> to vector<16x32xf32>
    %get3A_936 = arith.constant 1568 : index
    %get3A_937 = arith.constant 0 : index
    %get3A_938 = vector.load %arg3[%get3A_936, %get3A_937] : memref<2048x512xf32, #tpu.memory_space<vmem>>, vector<32x512xf32>
    %dot_general3A_939 = arith.constant dense<0.000000e+00> : vector<16x512xf32>
    %dot_general3A_940 = tpu.matmul %get3A_935, %get3A_938, %dot_general3A_939 {dimension_numbers = #tpu.dot_dimension_numbers<[1], [0], [0], [1], [0, 0, 1, 1], [], []>, transpose_lhs_hint = false} : vector<16x32xf32>, vector<32x512xf32>, vector<16x512xf32> -> vector<16x512xf32>
    %add3A_941 = arith.addf %add3A_922, %dot_general3A_940 : vector<16x512xf32>
    %get3A_942 = arith.constant 0 : index
    %get3A_943 = arith.constant 49 : index
    %get3A_944 = arith.constant 0 : index
    %get3A_945 = vector.load %arg2[%get3A_942, %get3A_943, %get3A_944] : memref<16x64x32xf32, #tpu.memory_space<vmem>>, vector<16x1x32xf32>
    %get3A_946 = vector.shape_cast %get3A_945 : vector<16x1x32xf32> to vector<16x32xf32>
    %sub3A_947 = arith.subf %get3A_935, %get3A_946 : vector<16x32xf32>
    %mul3A_948 = arith.mulf %sub3A_947, %sub3A_947 : vector<16x32xf32>
    %add3A_949 = arith.addf %add3A_930, %mul3A_948 : vector<16x32xf32>
    %get3A_950 = arith.constant 0 : index
    %get3A_951 = arith.constant 50 : index
    %get3A_952 = arith.constant 0 : index
    %get3A_953 = vector.load %arg1[%get3A_950, %get3A_951, %get3A_952] : memref<16x64x128xf32, #tpu.memory_space<vmem>>, vector<16x1x32xf32>
    %get3A_954 = vector.shape_cast %get3A_953 : vector<16x1x32xf32> to vector<16x32xf32>
    %get3A_955 = arith.constant 1600 : index
    %get3A_956 = arith.constant 0 : index
    %get3A_957 = vector.load %arg3[%get3A_955, %get3A_956] : memref<2048x512xf32, #tpu.memory_space<vmem>>, vector<32x512xf32>
    %dot_general3A_958 = arith.constant dense<0.000000e+00> : vector<16x512xf32>
    %dot_general3A_959 = tpu.matmul %get3A_954, %get3A_957, %dot_general3A_958 {dimension_numbers = #tpu.dot_dimension_numbers<[1], [0], [0], [1], [0, 0, 1, 1], [], []>, transpose_lhs_hint = false} : vector<16x32xf32>, vector<32x512xf32>, vector<16x512xf32> -> vector<16x512xf32>
    %add3A_960 = arith.addf %add3A_941, %dot_general3A_959 : vector<16x512xf32>
    %get3A_961 = arith.constant 0 : index
    %get3A_962 = arith.constant 50 : index
    %get3A_963 = arith.constant 0 : index
    %get3A_964 = vector.load %arg2[%get3A_961, %get3A_962, %get3A_963] : memref<16x64x32xf32, #tpu.memory_space<vmem>>, vector<16x1x32xf32>
    %get3A_965 = vector.shape_cast %get3A_964 : vector<16x1x32xf32> to vector<16x32xf32>
    %sub3A_966 = arith.subf %get3A_954, %get3A_965 : vector<16x32xf32>
    %mul3A_967 = arith.mulf %sub3A_966, %sub3A_966 : vector<16x32xf32>
    %add3A_968 = arith.addf %add3A_949, %mul3A_967 : vector<16x32xf32>
    %get3A_969 = arith.constant 0 : index
    %get3A_970 = arith.constant 51 : index
    %get3A_971 = arith.constant 0 : index
    %get3A_972 = vector.load %arg1[%get3A_969, %get3A_970, %get3A_971] : memref<16x64x128xf32, #tpu.memory_space<vmem>>, vector<16x1x32xf32>
    %get3A_973 = vector.shape_cast %get3A_972 : vector<16x1x32xf32> to vector<16x32xf32>
    %get3A_974 = arith.constant 1632 : index
    %get3A_975 = arith.constant 0 : index
    %get3A_976 = vector.load %arg3[%get3A_974, %get3A_975] : memref<2048x512xf32, #tpu.memory_space<vmem>>, vector<32x512xf32>
    %dot_general3A_977 = arith.constant dense<0.000000e+00> : vector<16x512xf32>
    %dot_general3A_978 = tpu.matmul %get3A_973, %get3A_976, %dot_general3A_977 {dimension_numbers = #tpu.dot_dimension_numbers<[1], [0], [0], [1], [0, 0, 1, 1], [], []>, transpose_lhs_hint = false} : vector<16x32xf32>, vector<32x512xf32>, vector<16x512xf32> -> vector<16x512xf32>
    %add3A_979 = arith.addf %add3A_960, %dot_general3A_978 : vector<16x512xf32>
    %get3A_980 = arith.constant 0 : index
    %get3A_981 = arith.constant 51 : index
    %get3A_982 = arith.constant 0 : index
    %get3A_983 = vector.load %arg2[%get3A_980, %get3A_981, %get3A_982] : memref<16x64x32xf32, #tpu.memory_space<vmem>>, vector<16x1x32xf32>
    %get3A_984 = vector.shape_cast %get3A_983 : vector<16x1x32xf32> to vector<16x32xf32>
    %sub3A_985 = arith.subf %get3A_973, %get3A_984 : vector<16x32xf32>
    %mul3A_986 = arith.mulf %sub3A_985, %sub3A_985 : vector<16x32xf32>
    %add3A_987 = arith.addf %add3A_968, %mul3A_986 : vector<16x32xf32>
    %get3A_988 = arith.constant 0 : index
    %get3A_989 = arith.constant 52 : index
    %get3A_990 = arith.constant 0 : index
    %get3A_991 = vector.load %arg1[%get3A_988, %get3A_989, %get3A_990] : memref<16x64x128xf32, #tpu.memory_space<vmem>>, vector<16x1x32xf32>
    %get3A_992 = vector.shape_cast %get3A_991 : vector<16x1x32xf32> to vector<16x32xf32>
    %get3A_993 = arith.constant 1664 : index
    %get3A_994 = arith.constant 0 : index
    %get3A_995 = vector.load %arg3[%get3A_993, %get3A_994] : memref<2048x512xf32, #tpu.memory_space<vmem>>, vector<32x512xf32>
    %dot_general3A_996 = arith.constant dense<0.000000e+00> : vector<16x512xf32>
    %dot_general3A_997 = tpu.matmul %get3A_992, %get3A_995, %dot_general3A_996 {dimension_numbers = #tpu.dot_dimension_numbers<[1], [0], [0], [1], [0, 0, 1, 1], [], []>, transpose_lhs_hint = false} : vector<16x32xf32>, vector<32x512xf32>, vector<16x512xf32> -> vector<16x512xf32>
    %add3A_998 = arith.addf %add3A_979, %dot_general3A_997 : vector<16x512xf32>
    %get3A_999 = arith.constant 0 : index
    %get3A_1000 = arith.constant 52 : index
    %get3A_1001 = arith.constant 0 : index
    %get3A_1002 = vector.load %arg2[%get3A_999, %get3A_1000, %get3A_1001] : memref<16x64x32xf32, #tpu.memory_space<vmem>>, vector<16x1x32xf32>
    %get3A_1003 = vector.shape_cast %get3A_1002 : vector<16x1x32xf32> to vector<16x32xf32>
    %sub3A_1004 = arith.subf %get3A_992, %get3A_1003 : vector<16x32xf32>
    %mul3A_1005 = arith.mulf %sub3A_1004, %sub3A_1004 : vector<16x32xf32>
    %add3A_1006 = arith.addf %add3A_987, %mul3A_1005 : vector<16x32xf32>
    %get3A_1007 = arith.constant 0 : index
    %get3A_1008 = arith.constant 53 : index
    %get3A_1009 = arith.constant 0 : index
    %get3A_1010 = vector.load %arg1[%get3A_1007, %get3A_1008, %get3A_1009] : memref<16x64x128xf32, #tpu.memory_space<vmem>>, vector<16x1x32xf32>
    %get3A_1011 = vector.shape_cast %get3A_1010 : vector<16x1x32xf32> to vector<16x32xf32>
    %get3A_1012 = arith.constant 1696 : index
    %get3A_1013 = arith.constant 0 : index
    %get3A_1014 = vector.load %arg3[%get3A_1012, %get3A_1013] : memref<2048x512xf32, #tpu.memory_space<vmem>>, vector<32x512xf32>
    %dot_general3A_1015 = arith.constant dense<0.000000e+00> : vector<16x512xf32>
    %dot_general3A_1016 = tpu.matmul %get3A_1011, %get3A_1014, %dot_general3A_1015 {dimension_numbers = #tpu.dot_dimension_numbers<[1], [0], [0], [1], [0, 0, 1, 1], [], []>, transpose_lhs_hint = false} : vector<16x32xf32>, vector<32x512xf32>, vector<16x512xf32> -> vector<16x512xf32>
    %add3A_1017 = arith.addf %add3A_998, %dot_general3A_1016 : vector<16x512xf32>
    %get3A_1018 = arith.constant 0 : index
    %get3A_1019 = arith.constant 53 : index
    %get3A_1020 = arith.constant 0 : index
    %get3A_1021 = vector.load %arg2[%get3A_1018, %get3A_1019, %get3A_1020] : memref<16x64x32xf32, #tpu.memory_space<vmem>>, vector<16x1x32xf32>
    %get3A_1022 = vector.shape_cast %get3A_1021 : vector<16x1x32xf32> to vector<16x32xf32>
    %sub3A_1023 = arith.subf %get3A_1011, %get3A_1022 : vector<16x32xf32>
    %mul3A_1024 = arith.mulf %sub3A_1023, %sub3A_1023 : vector<16x32xf32>
    %add3A_1025 = arith.addf %add3A_1006, %mul3A_1024 : vector<16x32xf32>
    %get3A_1026 = arith.constant 0 : index
    %get3A_1027 = arith.constant 54 : index
    %get3A_1028 = arith.constant 0 : index
    %get3A_1029 = vector.load %arg1[%get3A_1026, %get3A_1027, %get3A_1028] : memref<16x64x128xf32, #tpu.memory_space<vmem>>, vector<16x1x32xf32>
    %get3A_1030 = vector.shape_cast %get3A_1029 : vector<16x1x32xf32> to vector<16x32xf32>
    %get3A_1031 = arith.constant 1728 : index
    %get3A_1032 = arith.constant 0 : index
    %get3A_1033 = vector.load %arg3[%get3A_1031, %get3A_1032] : memref<2048x512xf32, #tpu.memory_space<vmem>>, vector<32x512xf32>
    %dot_general3A_1034 = arith.constant dense<0.000000e+00> : vector<16x512xf32>
    %dot_general3A_1035 = tpu.matmul %get3A_1030, %get3A_1033, %dot_general3A_1034 {dimension_numbers = #tpu.dot_dimension_numbers<[1], [0], [0], [1], [0, 0, 1, 1], [], []>, transpose_lhs_hint = false} : vector<16x32xf32>, vector<32x512xf32>, vector<16x512xf32> -> vector<16x512xf32>
    %add3A_1036 = arith.addf %add3A_1017, %dot_general3A_1035 : vector<16x512xf32>
    %get3A_1037 = arith.constant 0 : index
    %get3A_1038 = arith.constant 54 : index
    %get3A_1039 = arith.constant 0 : index
    %get3A_1040 = vector.load %arg2[%get3A_1037, %get3A_1038, %get3A_1039] : memref<16x64x32xf32, #tpu.memory_space<vmem>>, vector<16x1x32xf32>
    %get3A_1041 = vector.shape_cast %get3A_1040 : vector<16x1x32xf32> to vector<16x32xf32>
    %sub3A_1042 = arith.subf %get3A_1030, %get3A_1041 : vector<16x32xf32>
    %mul3A_1043 = arith.mulf %sub3A_1042, %sub3A_1042 : vector<16x32xf32>
    %add3A_1044 = arith.addf %add3A_1025, %mul3A_1043 : vector<16x32xf32>
    %get3A_1045 = arith.constant 0 : index
    %get3A_1046 = arith.constant 55 : index
    %get3A_1047 = arith.constant 0 : index
    %get3A_1048 = vector.load %arg1[%get3A_1045, %get3A_1046, %get3A_1047] : memref<16x64x128xf32, #tpu.memory_space<vmem>>, vector<16x1x32xf32>
    %get3A_1049 = vector.shape_cast %get3A_1048 : vector<16x1x32xf32> to vector<16x32xf32>
    %get3A_1050 = arith.constant 1760 : index
    %get3A_1051 = arith.constant 0 : index
    %get3A_1052 = vector.load %arg3[%get3A_1050, %get3A_1051] : memref<2048x512xf32, #tpu.memory_space<vmem>>, vector<32x512xf32>
    %dot_general3A_1053 = arith.constant dense<0.000000e+00> : vector<16x512xf32>
    %dot_general3A_1054 = tpu.matmul %get3A_1049, %get3A_1052, %dot_general3A_1053 {dimension_numbers = #tpu.dot_dimension_numbers<[1], [0], [0], [1], [0, 0, 1, 1], [], []>, transpose_lhs_hint = false} : vector<16x32xf32>, vector<32x512xf32>, vector<16x512xf32> -> vector<16x512xf32>
    %add3A_1055 = arith.addf %add3A_1036, %dot_general3A_1054 : vector<16x512xf32>
    %get3A_1056 = arith.constant 0 : index
    %get3A_1057 = arith.constant 55 : index
    %get3A_1058 = arith.constant 0 : index
    %get3A_1059 = vector.load %arg2[%get3A_1056, %get3A_1057, %get3A_1058] : memref<16x64x32xf32, #tpu.memory_space<vmem>>, vector<16x1x32xf32>
    %get3A_1060 = vector.shape_cast %get3A_1059 : vector<16x1x32xf32> to vector<16x32xf32>
    %sub3A_1061 = arith.subf %get3A_1049, %get3A_1060 : vector<16x32xf32>
    %mul3A_1062 = arith.mulf %sub3A_1061, %sub3A_1061 : vector<16x32xf32>
    %add3A_1063 = arith.addf %add3A_1044, %mul3A_1062 : vector<16x32xf32>
    %get3A_1064 = arith.constant 0 : index
    %get3A_1065 = arith.constant 56 : index
    %get3A_1066 = arith.constant 0 : index
    %get3A_1067 = vector.load %arg1[%get3A_1064, %get3A_1065, %get3A_1066] : memref<16x64x128xf32, #tpu.memory_space<vmem>>, vector<16x1x32xf32>
    %get3A_1068 = vector.shape_cast %get3A_1067 : vector<16x1x32xf32> to vector<16x32xf32>
    %get3A_1069 = arith.constant 1792 : index
    %get3A_1070 = arith.constant 0 : index
    %get3A_1071 = vector.load %arg3[%get3A_1069, %get3A_1070] : memref<2048x512xf32, #tpu.memory_space<vmem>>, vector<32x512xf32>
    %dot_general3A_1072 = arith.constant dense<0.000000e+00> : vector<16x512xf32>
    %dot_general3A_1073 = tpu.matmul %get3A_1068, %get3A_1071, %dot_general3A_1072 {dimension_numbers = #tpu.dot_dimension_numbers<[1], [0], [0], [1], [0, 0, 1, 1], [], []>, transpose_lhs_hint = false} : vector<16x32xf32>, vector<32x512xf32>, vector<16x512xf32> -> vector<16x512xf32>
    %add3A_1074 = arith.addf %add3A_1055, %dot_general3A_1073 : vector<16x512xf32>
    %get3A_1075 = arith.constant 0 : index
    %get3A_1076 = arith.constant 56 : index
    %get3A_1077 = arith.constant 0 : index
    %get3A_1078 = vector.load %arg2[%get3A_1075, %get3A_1076, %get3A_1077] : memref<16x64x32xf32, #tpu.memory_space<vmem>>, vector<16x1x32xf32>
    %get3A_1079 = vector.shape_cast %get3A_1078 : vector<16x1x32xf32> to vector<16x32xf32>
    %sub3A_1080 = arith.subf %get3A_1068, %get3A_1079 : vector<16x32xf32>
    %mul3A_1081 = arith.mulf %sub3A_1080, %sub3A_1080 : vector<16x32xf32>
    %add3A_1082 = arith.addf %add3A_1063, %mul3A_1081 : vector<16x32xf32>
    %get3A_1083 = arith.constant 0 : index
    %get3A_1084 = arith.constant 57 : index
    %get3A_1085 = arith.constant 0 : index
    %get3A_1086 = vector.load %arg1[%get3A_1083, %get3A_1084, %get3A_1085] : memref<16x64x128xf32, #tpu.memory_space<vmem>>, vector<16x1x32xf32>
    %get3A_1087 = vector.shape_cast %get3A_1086 : vector<16x1x32xf32> to vector<16x32xf32>
    %get3A_1088 = arith.constant 1824 : index
    %get3A_1089 = arith.constant 0 : index
    %get3A_1090 = vector.load %arg3[%get3A_1088, %get3A_1089] : memref<2048x512xf32, #tpu.memory_space<vmem>>, vector<32x512xf32>
    %dot_general3A_1091 = arith.constant dense<0.000000e+00> : vector<16x512xf32>
    %dot_general3A_1092 = tpu.matmul %get3A_1087, %get3A_1090, %dot_general3A_1091 {dimension_numbers = #tpu.dot_dimension_numbers<[1], [0], [0], [1], [0, 0, 1, 1], [], []>, transpose_lhs_hint = false} : vector<16x32xf32>, vector<32x512xf32>, vector<16x512xf32> -> vector<16x512xf32>
    %add3A_1093 = arith.addf %add3A_1074, %dot_general3A_1092 : vector<16x512xf32>
    %get3A_1094 = arith.constant 0 : index
    %get3A_1095 = arith.constant 57 : index
    %get3A_1096 = arith.constant 0 : index
    %get3A_1097 = vector.load %arg2[%get3A_1094, %get3A_1095, %get3A_1096] : memref<16x64x32xf32, #tpu.memory_space<vmem>>, vector<16x1x32xf32>
    %get3A_1098 = vector.shape_cast %get3A_1097 : vector<16x1x32xf32> to vector<16x32xf32>
    %sub3A_1099 = arith.subf %get3A_1087, %get3A_1098 : vector<16x32xf32>
    %mul3A_1100 = arith.mulf %sub3A_1099, %sub3A_1099 : vector<16x32xf32>
    %add3A_1101 = arith.addf %add3A_1082, %mul3A_1100 : vector<16x32xf32>
    %get3A_1102 = arith.constant 0 : index
    %get3A_1103 = arith.constant 58 : index
    %get3A_1104 = arith.constant 0 : index
    %get3A_1105 = vector.load %arg1[%get3A_1102, %get3A_1103, %get3A_1104] : memref<16x64x128xf32, #tpu.memory_space<vmem>>, vector<16x1x32xf32>
    %get3A_1106 = vector.shape_cast %get3A_1105 : vector<16x1x32xf32> to vector<16x32xf32>
    %get3A_1107 = arith.constant 1856 : index
    %get3A_1108 = arith.constant 0 : index
    %get3A_1109 = vector.load %arg3[%get3A_1107, %get3A_1108] : memref<2048x512xf32, #tpu.memory_space<vmem>>, vector<32x512xf32>
    %dot_general3A_1110 = arith.constant dense<0.000000e+00> : vector<16x512xf32>
    %dot_general3A_1111 = tpu.matmul %get3A_1106, %get3A_1109, %dot_general3A_1110 {dimension_numbers = #tpu.dot_dimension_numbers<[1], [0], [0], [1], [0, 0, 1, 1], [], []>, transpose_lhs_hint = false} : vector<16x32xf32>, vector<32x512xf32>, vector<16x512xf32> -> vector<16x512xf32>
    %add3A_1112 = arith.addf %add3A_1093, %dot_general3A_1111 : vector<16x512xf32>
    %get3A_1113 = arith.constant 0 : index
    %get3A_1114 = arith.constant 58 : index
    %get3A_1115 = arith.constant 0 : index
    %get3A_1116 = vector.load %arg2[%get3A_1113, %get3A_1114, %get3A_1115] : memref<16x64x32xf32, #tpu.memory_space<vmem>>, vector<16x1x32xf32>
    %get3A_1117 = vector.shape_cast %get3A_1116 : vector<16x1x32xf32> to vector<16x32xf32>
    %sub3A_1118 = arith.subf %get3A_1106, %get3A_1117 : vector<16x32xf32>
    %mul3A_1119 = arith.mulf %sub3A_1118, %sub3A_1118 : vector<16x32xf32>
    %add3A_1120 = arith.addf %add3A_1101, %mul3A_1119 : vector<16x32xf32>
    %get3A_1121 = arith.constant 0 : index
    %get3A_1122 = arith.constant 59 : index
    %get3A_1123 = arith.constant 0 : index
    %get3A_1124 = vector.load %arg1[%get3A_1121, %get3A_1122, %get3A_1123] : memref<16x64x128xf32, #tpu.memory_space<vmem>>, vector<16x1x32xf32>
    %get3A_1125 = vector.shape_cast %get3A_1124 : vector<16x1x32xf32> to vector<16x32xf32>
    %get3A_1126 = arith.constant 1888 : index
    %get3A_1127 = arith.constant 0 : index
    %get3A_1128 = vector.load %arg3[%get3A_1126, %get3A_1127] : memref<2048x512xf32, #tpu.memory_space<vmem>>, vector<32x512xf32>
    %dot_general3A_1129 = arith.constant dense<0.000000e+00> : vector<16x512xf32>
    %dot_general3A_1130 = tpu.matmul %get3A_1125, %get3A_1128, %dot_general3A_1129 {dimension_numbers = #tpu.dot_dimension_numbers<[1], [0], [0], [1], [0, 0, 1, 1], [], []>, transpose_lhs_hint = false} : vector<16x32xf32>, vector<32x512xf32>, vector<16x512xf32> -> vector<16x512xf32>
    %add3A_1131 = arith.addf %add3A_1112, %dot_general3A_1130 : vector<16x512xf32>
    %get3A_1132 = arith.constant 0 : index
    %get3A_1133 = arith.constant 59 : index
    %get3A_1134 = arith.constant 0 : index
    %get3A_1135 = vector.load %arg2[%get3A_1132, %get3A_1133, %get3A_1134] : memref<16x64x32xf32, #tpu.memory_space<vmem>>, vector<16x1x32xf32>
    %get3A_1136 = vector.shape_cast %get3A_1135 : vector<16x1x32xf32> to vector<16x32xf32>
    %sub3A_1137 = arith.subf %get3A_1125, %get3A_1136 : vector<16x32xf32>
    %mul3A_1138 = arith.mulf %sub3A_1137, %sub3A_1137 : vector<16x32xf32>
    %add3A_1139 = arith.addf %add3A_1120, %mul3A_1138 : vector<16x32xf32>
    %get3A_1140 = arith.constant 0 : index
    %get3A_1141 = arith.constant 60 : index
    %get3A_1142 = arith.constant 0 : index
    %get3A_1143 = vector.load %arg1[%get3A_1140, %get3A_1141, %get3A_1142] : memref<16x64x128xf32, #tpu.memory_space<vmem>>, vector<16x1x32xf32>
    %get3A_1144 = vector.shape_cast %get3A_1143 : vector<16x1x32xf32> to vector<16x32xf32>
    %get3A_1145 = arith.constant 1920 : index
    %get3A_1146 = arith.constant 0 : index
    %get3A_1147 = vector.load %arg3[%get3A_1145, %get3A_1146] : memref<2048x512xf32, #tpu.memory_space<vmem>>, vector<32x512xf32>
    %dot_general3A_1148 = arith.constant dense<0.000000e+00> : vector<16x512xf32>
    %dot_general3A_1149 = tpu.matmul %get3A_1144, %get3A_1147, %dot_general3A_1148 {dimension_numbers = #tpu.dot_dimension_numbers<[1], [0], [0], [1], [0, 0, 1, 1], [], []>, transpose_lhs_hint = false} : vector<16x32xf32>, vector<32x512xf32>, vector<16x512xf32> -> vector<16x512xf32>
    %add3A_1150 = arith.addf %add3A_1131, %dot_general3A_1149 : vector<16x512xf32>
    %get3A_1151 = arith.constant 0 : index
    %get3A_1152 = arith.constant 60 : index
    %get3A_1153 = arith.constant 0 : index
    %get3A_1154 = vector.load %arg2[%get3A_1151, %get3A_1152, %get3A_1153] : memref<16x64x32xf32, #tpu.memory_space<vmem>>, vector<16x1x32xf32>
    %get3A_1155 = vector.shape_cast %get3A_1154 : vector<16x1x32xf32> to vector<16x32xf32>
    %sub3A_1156 = arith.subf %get3A_1144, %get3A_1155 : vector<16x32xf32>
    %mul3A_1157 = arith.mulf %sub3A_1156, %sub3A_1156 : vector<16x32xf32>
    %add3A_1158 = arith.addf %add3A_1139, %mul3A_1157 : vector<16x32xf32>
    %get3A_1159 = arith.constant 0 : index
    %get3A_1160 = arith.constant 61 : index
    %get3A_1161 = arith.constant 0 : index
    %get3A_1162 = vector.load %arg1[%get3A_1159, %get3A_1160, %get3A_1161] : memref<16x64x128xf32, #tpu.memory_space<vmem>>, vector<16x1x32xf32>
    %get3A_1163 = vector.shape_cast %get3A_1162 : vector<16x1x32xf32> to vector<16x32xf32>
    %get3A_1164 = arith.constant 1952 : index
    %get3A_1165 = arith.constant 0 : index
    %get3A_1166 = vector.load %arg3[%get3A_1164, %get3A_1165] : memref<2048x512xf32, #tpu.memory_space<vmem>>, vector<32x512xf32>
    %dot_general3A_1167 = arith.constant dense<0.000000e+00> : vector<16x512xf32>
    %dot_general3A_1168 = tpu.matmul %get3A_1163, %get3A_1166, %dot_general3A_1167 {dimension_numbers = #tpu.dot_dimension_numbers<[1], [0], [0], [1], [0, 0, 1, 1], [], []>, transpose_lhs_hint = false} : vector<16x32xf32>, vector<32x512xf32>, vector<16x512xf32> -> vector<16x512xf32>
    %add3A_1169 = arith.addf %add3A_1150, %dot_general3A_1168 : vector<16x512xf32>
    %get3A_1170 = arith.constant 0 : index
    %get3A_1171 = arith.constant 61 : index
    %get3A_1172 = arith.constant 0 : index
    %get3A_1173 = vector.load %arg2[%get3A_1170, %get3A_1171, %get3A_1172] : memref<16x64x32xf32, #tpu.memory_space<vmem>>, vector<16x1x32xf32>
    %get3A_1174 = vector.shape_cast %get3A_1173 : vector<16x1x32xf32> to vector<16x32xf32>
    %sub3A_1175 = arith.subf %get3A_1163, %get3A_1174 : vector<16x32xf32>
    %mul3A_1176 = arith.mulf %sub3A_1175, %sub3A_1175 : vector<16x32xf32>
    %add3A_1177 = arith.addf %add3A_1158, %mul3A_1176 : vector<16x32xf32>
    %get3A_1178 = arith.constant 0 : index
    %get3A_1179 = arith.constant 62 : index
    %get3A_1180 = arith.constant 0 : index
    %get3A_1181 = vector.load %arg1[%get3A_1178, %get3A_1179, %get3A_1180] : memref<16x64x128xf32, #tpu.memory_space<vmem>>, vector<16x1x32xf32>
    %get3A_1182 = vector.shape_cast %get3A_1181 : vector<16x1x32xf32> to vector<16x32xf32>
    %get3A_1183 = arith.constant 1984 : index
    %get3A_1184 = arith.constant 0 : index
    %get3A_1185 = vector.load %arg3[%get3A_1183, %get3A_1184] : memref<2048x512xf32, #tpu.memory_space<vmem>>, vector<32x512xf32>
    %dot_general3A_1186 = arith.constant dense<0.000000e+00> : vector<16x512xf32>
    %dot_general3A_1187 = tpu.matmul %get3A_1182, %get3A_1185, %dot_general3A_1186 {dimension_numbers = #tpu.dot_dimension_numbers<[1], [0], [0], [1], [0, 0, 1, 1], [], []>, transpose_lhs_hint = false} : vector<16x32xf32>, vector<32x512xf32>, vector<16x512xf32> -> vector<16x512xf32>
    %add3A_1188 = arith.addf %add3A_1169, %dot_general3A_1187 : vector<16x512xf32>
    %get3A_1189 = arith.constant 0 : index
    %get3A_1190 = arith.constant 62 : index
    %get3A_1191 = arith.constant 0 : index
    %get3A_1192 = vector.load %arg2[%get3A_1189, %get3A_1190, %get3A_1191] : memref<16x64x32xf32, #tpu.memory_space<vmem>>, vector<16x1x32xf32>
    %get3A_1193 = vector.shape_cast %get3A_1192 : vector<16x1x32xf32> to vector<16x32xf32>
    %sub3A_1194 = arith.subf %get3A_1182, %get3A_1193 : vector<16x32xf32>
    %mul3A_1195 = arith.mulf %sub3A_1194, %sub3A_1194 : vector<16x32xf32>
    %add3A_1196 = arith.addf %add3A_1177, %mul3A_1195 : vector<16x32xf32>
    %get3A_1197 = arith.constant 0 : index
    %get3A_1198 = arith.constant 63 : index
    %get3A_1199 = arith.constant 0 : index
    %get3A_1200 = vector.load %arg1[%get3A_1197, %get3A_1198, %get3A_1199] : memref<16x64x128xf32, #tpu.memory_space<vmem>>, vector<16x1x32xf32>
    %get3A_1201 = vector.shape_cast %get3A_1200 : vector<16x1x32xf32> to vector<16x32xf32>
    %get3A_1202 = arith.constant 2016 : index
    %get3A_1203 = arith.constant 0 : index
    %get3A_1204 = vector.load %arg3[%get3A_1202, %get3A_1203] : memref<2048x512xf32, #tpu.memory_space<vmem>>, vector<32x512xf32>
    %dot_general3A_1205 = arith.constant dense<0.000000e+00> : vector<16x512xf32>
    %dot_general3A_1206 = tpu.matmul %get3A_1201, %get3A_1204, %dot_general3A_1205 {dimension_numbers = #tpu.dot_dimension_numbers<[1], [0], [0], [1], [0, 0, 1, 1], [], []>, transpose_lhs_hint = false} : vector<16x32xf32>, vector<32x512xf32>, vector<16x512xf32> -> vector<16x512xf32>
    %add3A_1207 = arith.addf %add3A_1188, %dot_general3A_1206 : vector<16x512xf32>
    %get3A_1208 = arith.constant 0 : index
    %get3A_1209 = arith.constant 63 : index
    %get3A_1210 = arith.constant 0 : index
    %get3A_1211 = vector.load %arg2[%get3A_1208, %get3A_1209, %get3A_1210] : memref<16x64x32xf32, #tpu.memory_space<vmem>>, vector<16x1x32xf32>
    %get3A_1212 = vector.shape_cast %get3A_1211 : vector<16x1x32xf32> to vector<16x32xf32>
    %sub3A_1213 = arith.subf %get3A_1201, %get3A_1212 : vector<16x32xf32>
    %mul3A_1214 = arith.mulf %sub3A_1213, %sub3A_1213 : vector<16x32xf32>
    %add3A_1215 = arith.addf %add3A_1196, %mul3A_1214 : vector<16x32xf32>
    %get3A_1216 = arith.constant 0 : index
    %get3A_1217 = arith.constant 0 : index
    %get3A_1218 = vector.load %arg9[%get3A_1216, %get3A_1217] : memref<16x512xf32, #tpu.memory_space<vmem>>, vector<16x512xf32>
    %add3A_1219 = arith.addf %get3A_1218, %add3A_1207 : vector<16x512xf32>
    %swap3A = arith.constant 0 : index
    %swap3A_1220 = arith.constant 0 : index
    %swap3A_1221 = vector.load %arg9[%swap3A, %swap3A_1220] : memref<16x512xf32, #tpu.memory_space<vmem>>, vector<16x512xf32>
    tpu.vector_store %arg9[%swap3A, %swap3A_1220], %add3A_1219 {strides = array<i32>} : memref<16x512xf32, #tpu.memory_space<vmem>>, vector<16x512xf32>,
    %get3A_1222 = arith.constant 0 : index
    %get3A_1223 = arith.constant 0 : index
    %get3A_1224 = memref.load %arg8[%get3A_1222, %get3A_1223] : memref<1x1xf32, #tpu.memory_space<smem>>
    %reduce_sum3A = vector.shape_cast %add3A_1215 : vector<16x32xf32> to vector<1x16x32xf32>
    %reduce_sum3A_1225 = arith.constant dense<0.000000e+00> : vector<1xf32>
    %reduce_sum3A_1226 = vector.multi_reduction <add>, %reduce_sum3A, %reduce_sum3A_1225 [1, 2] : vector<1x16x32xf32> to vector<1xf32>
    %reduce_sum3A_1227 = vector.shape_cast %reduce_sum3A_1226 : vector<1xf32> to vector<1x1x1xf32>
    %reduce_sum3A_1228 = vector.extract %reduce_sum3A_1227[0, 0, 0] : f32 from vector<1x1x1xf32>
    %add3A_1229 = arith.addf %get3A_1224, %reduce_sum3A_1228 : f32
    %swap3A_1230 = arith.constant 0 : index
    %swap3A_1231 = arith.constant 0 : index
    %swap3A_1232 = memref.load %arg8[%swap3A_1230, %swap3A_1231] : memref<1x1xf32, #tpu.memory_space<smem>>
    memref.store %add3A_1229, %arg8[%swap3A_1230, %swap3A_1231] : memref<1x1xf32, #tpu.memory_space<smem>>
    %eq3A_1233 = arith.constant 8 : i32
    %eq3A_1234 = arith.cmpi eq, %arg0, %eq3A_1233 : i32
    %convert_element_type3A_1235 = arith.extui %eq3A_1234 : i1 to i32
    %cond3A_1236 = arith.constant 0 : i32
    %cond3A_1237 = arith.cmpi ne, %convert_element_type3A_1235, %cond3A_1236 : i32
    scf.if %cond3A_1237 {
      %get3A_1238 = arith.constant 0 : index
      %get3A_1239 = arith.constant 0 : index
      %get3A_1240 = vector.load %arg9[%get3A_1238, %get3A_1239] : memref<16x512xf32, #tpu.memory_space<vmem>>, vector<16x512xf32>
      %get3A_1241 = arith.constant 0 : index
      %get3A_1242 = arith.constant 0 : index
      %get3A_1243 = vector.load %arg4[%get3A_1241, %get3A_1242] : memref<1x512xf32, #tpu.memory_space<vmem>>, vector<1x512xf32>
      %add3A_1244 = vector.broadcast %get3A_1243 : vector<1x512xf32> to vector<16x512xf32>
      %add3A_1245 = arith.addf %get3A_1240, %add3A_1244 : vector<16x512xf32>
      %max3A = arith.constant 0.000000e+00 : f32
      %max3A_1246 = vector.broadcast %max3A : f32 to vector<16x512xf32>
      %max3A_1247 = arith.maximumf %add3A_1245, %max3A_1246 : vector<16x512xf32>
      %get3A_1248 = arith.constant 0 : index
      %get3A_1249 = arith.constant 0 : index
      %get3A_1250 = vector.load %arg5[%get3A_1248, %get3A_1249] : memref<512x1024xf32, #tpu.memory_space<vmem>>, vector<512x1024xf32>
      %dot_general3A_1251 = arith.constant dense<0.000000e+00> : vector<16x1024xf32>
      %dot_general3A_1252 = tpu.matmul %max3A_1247, %get3A_1250, %dot_general3A_1251 {dimension_numbers = #tpu.dot_dimension_numbers<[1], [0], [0], [1], [0, 0, 1, 1], [], []>, transpose_lhs_hint = false} : vector<16x512xf32>, vector<512x1024xf32>, vector<16x1024xf32> -> vector<16x1024xf32>
      %get3A_1253 = arith.constant 0 : index
      %get3A_1254 = arith.constant 0 : index
      %get3A_1255 = vector.load %arg6[%get3A_1253, %get3A_1254] : memref<1x1024xf32, #tpu.memory_space<vmem>>, vector<1x1024xf32>
      %add3A_1256 = vector.broadcast %get3A_1255 : vector<1x1024xf32> to vector<16x1024xf32>
      %add3A_1257 = arith.addf %dot_general3A_1252, %add3A_1256 : vector<16x1024xf32>
      %max3A_1258 = arith.constant 0.000000e+00 : f32
      %max3A_1259 = vector.broadcast %max3A_1258 : f32 to vector<16x1024xf32>
      %max3A_1260 = arith.maximumf %add3A_1257, %max3A_1259 : vector<16x1024xf32>
      %swap3A_1261 = arith.constant 0 : index
      %swap3A_1262 = arith.constant 0 : index
      %swap3A_1263 = vector.load %arg7[%swap3A_1261, %swap3A_1262] : memref<16x1024xf32, #tpu.memory_space<vmem>>, vector<16x1024xf32>
      tpu.vector_store %arg7[%swap3A_1261, %swap3A_1262], %max3A_1260 {strides = array<i32>} : memref<16x1024xf32, #tpu.memory_space<vmem>>, vector<16x1024xf32>,
    } else {
    }
    return
  }
  func.func @transform_0(%arg0: i32) -> (i32, i32, i32) {
    %c0_i32 = arith.constant 0 : i32
    %c0_i32_0 = arith.constant 0 : i32
    %c0_i32_1 = arith.constant 0 : i32
    return %c0_i32, %arg0, %c0_i32_0 : i32, i32, i32
  }
  func.func @transform_1(%arg0: i32) -> (i32, i32, i32) {
    %c0_i32 = arith.constant 0 : i32
    %c0_i32_0 = arith.constant 0 : i32
    %c0_i32_1 = arith.constant 0 : i32
    return %c0_i32, %arg0, %c0_i32_0 : i32, i32, i32
  }
  func.func @transform_2(%arg0: i32) -> (i32, i32) {
    %c0_i32 = arith.constant 0 : i32
    %c0_i32_0 = arith.constant 0 : i32
    return %arg0, %c0_i32 : i32, i32
  }
  func.func @transform_3(%arg0: i32) -> (i32, i32) {
    %c0_i32 = arith.constant 0 : i32
    %c0_i32_0 = arith.constant 0 : i32
    %c0_i32_1 = arith.constant 0 : i32
    return %c0_i32, %c0_i32_0 : i32, i32
  }
  func.func @transform_4(%arg0: i32) -> (i32, i32) {
    %c0_i32 = arith.constant 0 : i32
    %c0_i32_0 = arith.constant 0 : i32
    %c0_i32_1 = arith.constant 0 : i32
    return %c0_i32, %c0_i32_0 : i32, i32
  }
  func.func @transform_5(%arg0: i32) -> (i32, i32) {
    %c0_i32 = arith.constant 0 : i32
    %c0_i32_0 = arith.constant 0 : i32
    %c0_i32_1 = arith.constant 0 : i32
    return %c0_i32, %c0_i32_0 : i32, i32
  }
  func.func @transform_6(%arg0: i32) -> (i32, i32) {
    %c0_i32 = arith.constant 0 : i32
    %c0_i32_0 = arith.constant 0 : i32
    %c0_i32_1 = arith.constant 0 : i32
    return %c0_i32, %c0_i32_0 : i32, i32
  }
  func.func @transform_7(%arg0: i32) -> (i32, i32) {
    %c0_i32 = arith.constant 0 : i32
    %c0_i32_0 = arith.constant 0 : i32
    %c0_i32_1 = arith.constant 0 : i32
    return %c0_i32, %c0_i32_0 : i32, i32
  }
}

</mosaic_0001>

<sc_bundles>
// kernel: kernel.6.cloned.1.call-start
scs
__scs_entry_jumppad:
0x0: {  	(pc) =	sbr.rel $0x88, $3  }
0x1: {  	(tag) =	ssettag $0x0;
	lr =	simm.s32 $0x1  }
0x2: {  	[smem:$0x3F93] =	sst lr;
	_ =	strace $0xD0000000  }
0x3: {  	_ = 	snop  }
0x4: {  	_ = 	snop  }
0x5: {  	_ = 	snop  }
0x6: {  	_ = 	snop  }
0x7: {  	_ = 	snop  }
__scs_overlays_trampoline_lowered:
0x8: {  	[smem:$0x3FA2] =	sst s0  }
0x9: {  	[smem:$0x3FA3] =	sst s1  }
0xa: {  	[smem:$0x3FA4] =	sst s2  }
0xb: {  	[smem:$0x3FA5] =	sst s3  }
0xc: {  	[smem:$0x3FA6] =	sst s4  }
0xd: {  	[smem:$0x3FA7] =	sst s5  }
0xe: {  	[smem:$0x3FA8] =	sst s6  }
0xf: {  	[smem:$0x3FA9] =	sst s7  }
0x10: {  	[smem:$0x3FAA] =	sst s8  }
0x11: {  	[smem:$0x3FAB] =	sst s9;
	s0 =	simm.s32 @!p0 $0x0  }
0x12: {  	s1 =	sld [smem:$0x3F91];
	s0 =	simm.s32 @p0 $0x1  }
0x13: {  	[smem:$0x3FAC] =	sst s0;
	s0 =	simm.s32 @!p1 $0x0  }
0x14: {  	s2 =	sld [smem:$0x3F90];
	s0 =	simm.s32 @p1 $0x1  }
0x15: {  	[smem:$0x3FAD] =	sst s0;
	s0 =	simm.s32 @!p2 $0x0  }
0x16: {  	s3 =	sld [smem:$0x3FDB];
	s0 =	simm.s32 @p2 $0x1  }
0x17: {  	s4 =	simm.s32 $0x1BF5;
	[smem:$0x3FAF] =	sst s0  }
0x18: {  	s0 =	sld [smem:$0x3F92];
	_ =	swait.ge [sflag:s4], $0x0  }
0x19: {  	s7 =	sld [smem:$0x3F93]  }
0x1a: {  	s8 =	sadd.s32 $0xFFFFE003, lr  }
0x1b: {  	s9 =	sadd.s32 $0xFFFFFEF7, lr;
	s5 =	simm.s32 $0xFFFFFFFF;
	p2 =	slt.u32 s8, $0xFFFFF086  }
0x1c: {  	p1 =	slt.u32 s9, $0xF7A;
	s5 =	simm.s32 @!p2 $0x0  }
0x1d: {  	s5 =	simm.s32 @p1 $0x1;
	p0 =	seq.s32 s7, s2  }
0x1e: {  	s7 =	smul.u32 @!p0 $0xF7A, s2;
	p2 =	seq.s32 @!p0 s5, $0x0  }
0x1f: {  	s9 =	smul.u32 $0xF7A, s1;
	s8 =	simm.s32 @!p0 $0x1BF5;
	p2 =	por !p2, p0  }
0x20: {  	[sflag:s8] =	ssyncset.s32 @!p0 $0xFFFFF086;
	s6 =	sadd.s32 @!p0 s3, s7;
	s7 =	simm.s32 @!p0 $0x108  }
0x21: {  	s3 =	sadd.s32 s3, s9;
	s6 =	sadd.s32 @!p0 $0x88, s6;
	s7 =	simm.s32 @p2 $0x1082  }
0x22: {  	[simem:s7], [sflag:s8] =	dma.local @!p0 [hbm:s6], $0xF7A  }
0x23: {  	s9 =	sor.u32 $0xD0000000, s2;
	s6 =	simm.s32 $0x108;
	_ =	swait.ge @!p0 [sflag:s8], $0x0  }
0x24: {  	s3 =	sadd.s32 $0x88, s3;
	s6 =	simm.s32 @!p1 $0x1082;
	[sflag:s4] =	ssyncset.s32 $0xFFFFF086  }
0x25: {  	[simem:s6], [sflag:s4] =	dma.local [hbm:s3], $0xF7A  }
0x26: {  	[smem:$0x3F93] =	sst s1;
	(tag) =	ssettag s2;
	_ =	strace s9  }
0x27: {  	s1 =	sld [smem:$0x3FA3]  }
0x28: {  	s2 =	sld [smem:$0x3FA4]  }
0x29: {  	s4 =	sld [smem:$0x3FA6]  }
0x2a: {  	p0 =	seq.s32 s5, $0x0;
	s5 =	sld [smem:$0x3FA7]  }
0x2b: {  	s6 =	sld [smem:$0x3FA8]  }
0x2c: {  	s7 =	sld [smem:$0x3FA9]  }
0x2d: {  	s3 =	simm.s32 $0x108;
	s8 =	sld [smem:$0x3FAA]  }
0x2e: {  	s3 =	simm.s32 @!p0 $0x1082;
	s9 =	sld [smem:$0x3FAB]  }
0x2f: {  	lr =	sadd.s32 s0, s3;
	s0 =	sld [smem:$0x3FA2]  }
0x30: {  	s3 =	sld [smem:$0x3FA5]  }
0x31: {  	[smem:$0x3FAE] =	sst s10  }
0x32: {  	s10 =	sld [smem:$0x3FAC];
	_ =	sdelay $0x3  }
0x33: {  	p0 =	seq.s32 s10, $0x1;
	s10 =	sld [smem:$0x3FAE];
	_ =	sdelay $0x3  }
0x34: {  	[smem:$0x3FAE] =	sst s10  }
0x35: {  	s10 =	sld [smem:$0x3FAD];
	_ =	sdelay $0x3  }
0x36: {  	p1 =	seq.s32 s10, $0x1;
	s10 =	sld [smem:$0x3FAE];
	_ =	sdelay $0x3  }
0x37: {  	[smem:$0x3FAE] =	sst s10  }
0x38: {  	s10 =	sld [smem:$0x3FAF]  }
0x39: {  	_ = 	snop;
	(pc) =	sbr.ind lr, $3  }
0x3a: {  	_ = 	snop  }
0x3b: {  	_ = 	snop  }
0x3c: {  	p2 =	seq.s32 s10, $0x1;
	s10 =	sld [smem:$0x3FAE]  }
0x3d: {  	_ =	shalt  }
0x3e: {  	_ =	shalt  }
0x3f: {  	_ =	shalt  }
0x40: {  	_ =	shalt  }
0x41: {  	_ =	shalt  }
0x42: {  	_ =	shalt  }
0x43: {  	_ =	shalt  }
0x44: {  	_ =	shalt  }
0x45: {  	_ =	shalt  }
0x46: {  	_ =	shalt  }
0x47: {  	_ =	shalt  }
0x48: {  	_ =	shalt  }
0x49: {  	_ =	shalt  }
0x4a: {  	_ =	shalt  }
0x4b: {  	_ =	shalt  }
0x4c: {  	_ =	shalt  }
0x4d: {  	_ =	shalt  }
0x4e: {  	_ =	shalt  }
0x4f: {  	_ =	shalt  }
0x50: {  	_ =	shalt  }
0x51: {  	_ =	shalt  }
0x52: {  	_ =	shalt  }
0x53: {  	_ =	shalt  }
0x54: {  	_ =	shalt  }
0x55: {  	_ =	shalt  }
0x56: {  	_ =	shalt  }
0x57: {  	_ =	shalt  }
0x58: {  	_ =	shalt  }
0x59: {  	_ =	shalt  }
0x5a: {  	_ =	shalt  }
0x5b: {  	_ =	shalt  }
0x5c: {  	_ =	shalt  }
0x5d: {  	_ =	shalt  }
0x5e: {  	_ =	shalt  }
0x5f: {  	_ =	shalt  }
0x60: {  	_ =	shalt  }
0x61: {  	_ =	shalt  }
0x62: {  	_ =	shalt  }
0x63: {  	_ =	shalt  }
0x64: {  	_ =	shalt  }
0x65: {  	_ =	shalt  }
0x66: {  	_ =	shalt  }
0x67: {  	_ =	shalt  }
0x68: {  	_ =	shalt  }
0x69: {  	_ =	shalt  }
0x6a: {  	_ =	shalt  }
0x6b: {  	_ =	shalt  }
0x6c: {  	_ =	shalt  }
0x6d: {  	_ =	shalt  }
0x6e: {  	_ =	shalt  }
0x6f: {  	_ =	shalt  }
0x70: {  	_ =	shalt  }
0x71: {  	_ =	shalt  }
0x72: {  	_ =	shalt  }
0x73: {  	_ =	shalt  }
0x74: {  	_ =	shalt  }
0x75: {  	_ =	shalt  }
0x76: {  	_ =	shalt  }
0x77: {  	_ =	shalt  }
0x78: {  	_ =	shalt  }
0x79: {  	_ =	shalt  }
0x7a: {  	_ =	shalt  }
0x7b: {  	_ =	shalt  }
0x7c: {  	_ =	shalt  }
0x7d: {  	_ =	shalt  }
0x7e: {  	_ =	shalt  }
0x7f: {  	_ =	shalt  }
0x80: {  	_ =	shalt  }
0x81: {  	_ =	shalt  }
0x82: {  	_ =	shalt  }
0x83: {  	_ =	shalt  }
0x84: {  	_ =	shalt  }
0x85: {  	_ =	shalt  }
0x86: {  	_ =	shalt  }
0x87: {  	_ =	shalt  }
.Lfunc_end0:
.L_simem_size_0:
called_computation_lowered:
.L_overlay_start_0:
0x88: {  	s2 =	sld [smem:$0x3FD9]  }
0x89: {  	s3 =	sld [smem:$0x3FFE];
	_ =	sdelay $0x1  }
0x8a: {  	s1 =	srdreg.scid  }
0x8b: {  	s0 =	sand.u32 $0x1, s1  }
0x8c: {  	s16 =	sshll.u32 s0, $0xA;
	s2 =	sadd.s32 s3, s2  }
0x8d: {  	s2 =	sadd.s32 s2, s16  }
0x8e: {  	[smem:$0x3FBA] =	sst s2  }
0x8f: {  	_ = 	snop  }
0x90: {  	(tm) =	ssettm $0x1  }
0x91: {  	s17 =	sld [smem:$0x3FFB];
	_ =	sdelay $0x3  }
0x92: {  	_ =	strace s17  }
0x93: {  	s2 =	sld [smem:$0x3FFC];
	_ =	sdelay $0x3  }
0x94: {  	_ =	strace s2  }
0x95: {  	s2 =	sld [smem:$0x3FFD];
	_ =	sdelay $0x3  }
0x96: {  	_ =	strace s2  }
0x97: {  	_ =	strace $0x8FFFFFFF  }
0x98: {  	s18 =	sld [smem:$0x3FDB];
	_ =	sdelay $0x1  }
0x99: {  	s19 =	simm.s32 $_scs_section_size  }
0x9a: {  	s4 =	simm.s32 $_size__tile_overlayer_lowered;
	s5 =	simm.s32 $_tile_overlayer_lowered  }
0x9b: {  	s22 =	simm.s32 $0x1BFF;
	s21 =	sshll.u32 s5, $0x1;
	s2 =	sadd.s32 s19, s18  }
0x9c: {  	s6 =	simm.s32 $0x0;
	s20 =	sshll.u32 s4, $0x1;
	s4 =	sadd.s32 s21, s2  }
0x9d: {  	[timem:s6], [sflag:s22] =	dma.local [hbm:s4], s20  }
0x9e: {  	_ =	swait.ge [sflag:s22], s20  }
0x9f: {  	s3 =	ssub.s32 $0x0, s20;
	[sflag:s22] =	ssyncset.done $0x0  }
0xa0: {  	[sflag:s22] =	ssyncadd.s32 s3;
	_ =	sdelay $0x1  }
0xa1: {  	s23 =	simm.s32 $0x1B8B  }
0xa2: {  	_ =	swait.ge [sflag:s23], $0x1  }
0xa3: {  	[sflag:s23] =	ssyncset.done $0x0  }
0xa4: {  	s25 =	simm.s32 $0x1B8E;
	s24 =	sld [smem:$0x3FFE];
	[sflag:s23] =	ssyncadd.s32 $0xFFFFFFFF  }
0xa5: {  	s26 =	simm.s32 $execute0_lowered;
	[smem:$0x3FD2] =	sst s25  }
0xa6: {  	s4 =	sshll.u32 s26, $0x1;
	_ =	strace $0x80000046;
	[dreg:$0x1] =	wrdreg $0xFFFFFFFF  }
0xa7: {  	s28 =	simm.s32 $_size_execute0_lowered;
	s2 =	sadd.s32 s2, s4;
	[dreg:$0x0] =	wrdreg $0x0  }
0xa8: {  	s4 =	sshll.u32 s28, $0x1;
	[dreg:$0x2] =	wrdreg s2  }
0xa9: {  	[dreg:$0x3] =	wrdreg s4  }
0xaa: {  	[dreg:$0x4] =	wrdreg $0xC0  }
0xab: {  	_ =	task [dreg:s6], $0x5FFFF  }
0xac: {  	[dreg:$0x1] =	wrdreg $0xFFFFFFFF  }
0xad: {  	[dreg:$0x0] =	wrdreg $0x60  }
0xae: {  	[dreg:$0x2] =	wrdreg s24  }
0xaf: {  	[dreg:$0x3] =	wrdreg $0x9  }
0xb0: {  	_ =	task.clear_ibuf [dreg:s6], $0x4FFFF;
	_ =	strace $0x90000046  }
0xb1: {  	s29 =	simm.s32 $0x9;
	_ =	strace $0x80000048  }
0xb2: {  	_ =	swait.ge [sflag:s29], $0x1  }
0xb3: {  	[sflag:s29] =	ssyncadd.s32 $0xFFFFFFFF  }
0xb4: {  	_ =	strace $0x90000048  }
0xb5: {  	_ =	sfence  }
0xb6: {  	s30 =	sld [smem:$0x0];
	_ =	sdelay $0x2  }
0xb7: {  	s31 =	sshll.u32 s1, $0xD;
	s1 =	sshrl.u32 s1, $0x2  }
0xb8: {  	s3 =	sand.u32 $0x4000, s31;
	s1 =	sadd.s32 s1, s30  }
0xb9: {  	s0 =	sor.u32 s3, s0;
	s1 =	sshll.u32 s1, $0x11  }
0xba: {  	s0 =	sor.u32 s1, s0  }
0xbb: {  	s0 =	sadd.s32 $0x8F2B, s0  }
0xbc: {  	[sflag:s0] =	ssyncadd.remote.s32 $0x1  }
0xbd: {  	_ =	sfence.sel $0xFFFF  }
0xbe: {  	[dreg:$0x0] =	wrdreg $0xFFFFFFFF;
	(pc) =	sbr.abs _section_cstart, $3  }
0xbf: {  	[dreg:$0x1] =	wrdreg $0xFFFFFFFF  }
0xc0: {  	_ =	task.clear_ibuf [dreg:s6], $0x2FFFF;
	_ =	strace $0x9FFFFFFF  }
0xc1: {  	(tm) =	ssettm $0x7FFFFFFF  }
tec
execute0_lowered:
.L_overlay_start_1:
0x0: {  	(tag) =	ssettag $0x1  }
0x1: {  	s1 =	srdreg.scid;
	s0 =	stileid.u32  }
0x2: {  	s13 =	sand.u32 $0x1, s1;
	s29 =	sshll.u32 s0, $0x1  }
0x3: {  	s14 =	sor.u32 s13, s29  }
0x4: {  	s12 =	rddreg [dreg:$0x0];
	s3 =	smul.u32 $0x24, s14  }
0x5: {  	s2 =	simm.s32 $0x0;
	s1 =	rddreg [dreg:$0x1]  }
0x6: {  	[smem:$0x7FF] =	sst s2;
	s3 =	sadd.s32 s3, s12  }
0x7: {  	_ =	strace $0x80000047;
	s4 =	sadd.s32 $0x21C00, s3;
	s3 =	simm.s32 $0x2  }
0x8: {  	[tilespmem:s2], [sflag:$0x2] =	stream.linear.gather [hbm4b:s4+s2], $0x120, $0x38;
	[tilespmem:$0x9180] =	vst v63  }
0x9: {  	_ =	swait.ge [sflag:s3], $0x120  }
0xa: {  	s6 =	simm.s32 $0x60;
	[sflag:s3] =	ssyncset.done $0x0  }
0xb: {  	s7 =	simm.s32 $0x180;
	s5 =	sadd.s32 $0x1C00, s12;
	[sflag:s3] =	ssyncadd.s32 $0xFFFFFEE0  }
0xc: {  	[tilespmem:s7], [sflag:$0x1] =	stream.indirect.gather [hbm4b:s5+s6], $0x80, s2, s6, $0xb8;
	[tilespmem:$0x9180] =	vst v63  }
0xd: {  	s8 =	simm.s32 $0x3180  }
0xe: {  	[tilespmem:s8], [sflag:$0x1] =	stream.indirect.gather [hbm4b:s5+s6], $0x80, s6, s6, $0xb8;
	[tilespmem:$0x9180] =	vst v63  }
0xf: {  	s9 =	simm.s32 $0xC0;
	s10 =	simm.s32 $0x6180;
	s11 =	simm.s32 $0x1  }
0x10: {  	[tilespmem:s10], [sflag:$0x1] =	stream.indirect.gather [hbm4b:s5+s6], $0x80, s9, s6, $0xb8;
	[tilespmem:$0x9180] =	vst v63  }
0x11: {  	_ =	swait.ge [sflag:s11], $0x3000  }
0x12: {  	[sflag:s11] =	ssyncset.done $0x0  }
0x13: {  	[sflag:s11] =	ssyncadd.s32 $0xFFFFD000  }
0x14: {  	_ =	swait.ge [sflag:s11], $0x3000  }
0x15: {  	[sflag:s11] =	ssyncset.done $0x0  }
0x16: {  	[sflag:s11] =	ssyncadd.s32 $0xFFFFD000  }
0x17: {  	s15 =	smul.u32 $0x1200, s14;
	_ =	swait.ge [sflag:s11], $0x3000  }
0x18: {  	s16 =	sadd.s32 $0x22200, s12;
	s30 =	ssub.s32 $0x2, s13;
	[sflag:s11] =	ssyncset.done $0x0  }
0x19: {  	s14 =	smul.u32 $0x9000, s14;
	s12 =	sadd.s32 s16, s15;
	[sflag:s11] =	ssyncadd.s32 $0xFFFFD000  }
0x1a: {  	[hbm4b:s12+s2] =	stream.linear.scatter [tilespmem:s7], [sflag:$0x2], $0x3000, $0x38;
	[tilespmem:$0x9180] =	vst v63  }
0x1b: {  	s31 =	sshrl.u32 s30, $0x1;
	s14 =	sshrl.u32 s14, $0x3;
	_ =	swait.ge [sflag:s3], $0x3000  }
0x1c: {  	s15 =	ssub.s32 s30, s31;
	s14 =	sadd.s32 s16, s14;
	[sflag:s3] =	ssyncset.done $0x0  }
0x1d: {  	s15 =	smax.u32 s15, $0x1;
	s13 =	sadd.s32 $0x600, s14;
	[sflag:s3] =	ssyncadd.s32 $0xFFFFD000  }
0x1e: {  	[hbm4b:s13+s2] =	stream.linear.scatter [tilespmem:s8], [sflag:$0x2], $0x3000, $0x38;
	[tilespmem:$0x9180] =	vst v63  }
0x1f: {  	p0 =	sne.s32 s15, $0x1;
	_ =	swait.ge [sflag:s3], $0x3000  }
.Ltmp0:
0x20: {  	[sflag:s3] =	ssyncset.done $0x0;
	(pc) =	sbr.rel @!p0 .LBB2_2-.Ltmp0, $4  }
0x21: {  	s14 =	sadd.s32 $0xC00, s14;
	[sflag:s3] =	ssyncadd.s32 $0xFFFFD000  }
0x22: {  	[hbm4b:s14+s2] =	stream.linear.scatter [tilespmem:s10], [sflag:$0x2], $0x3000, $0x38;
	[tilespmem:$0x9180] =	vst v63  }
0x23: {  	_ =	swait.ge [sflag:s3], $0x3000  }
0x24: {  	s15 =	sadd.s32 $0xFFFFFFFF, s15;
	[sflag:s3] =	ssyncset.done $0x0  }
.LBB2_1:
0x25: {  	p0 =	sne.s32 s15, $0x1;
	s15 =	sadd.s32 $0xFFFFFFFF, s15;
	[sflag:s3] =	ssyncadd.s32 $0xFFFFD000  }
0x26: {  	[tilespmem:s2], [sflag:$0x2] =	stream.linear.gather [hbm4b:s4+s2], $0x120, $0x38;
	[tilespmem:$0x9180] =	vst v63  }
0x27: {  	_ =	swait.ge [sflag:s3], $0x120  }
0x28: {  	[sflag:s3] =	ssyncset.done $0x0  }
0x29: {  	[sflag:s3] =	ssyncadd.s32 $0xFFFFFEE0  }
0x2a: {  	[tilespmem:s7], [sflag:$0x1] =	stream.indirect.gather [hbm4b:s5+s6], $0x80, s2, s6, $0xb8;
	[tilespmem:$0x9180] =	vst v63  }
0x2b: {  	_ = 	snop  }
0x2c: {  	[tilespmem:s8], [sflag:$0x1] =	stream.indirect.gather [hbm4b:s5+s6], $0x80, s6, s6, $0xb8;
	[tilespmem:$0x9180] =	vst v63  }
0x2d: {  	_ = 	snop  }
0x2e: {  	[tilespmem:s10], [sflag:$0x1] =	stream.indirect.gather [hbm4b:s5+s6], $0x80, s9, s6, $0xb8;
	[tilespmem:$0x9180] =	vst v63  }
0x2f: {  	_ =	swait.ge [sflag:s11], $0x3000  }
0x30: {  	[sflag:s11] =	ssyncset.done $0x0  }
0x31: {  	[sflag:s11] =	ssyncadd.s32 $0xFFFFD000  }
0x32: {  	_ =	swait.ge [sflag:s11], $0x3000  }
0x33: {  	[sflag:s11] =	ssyncset.done $0x0  }
0x34: {  	[sflag:s11] =	ssyncadd.s32 $0xFFFFD000  }
0x35: {  	_ =	swait.ge [sflag:s11], $0x3000  }
0x36: {  	[sflag:s11] =	ssyncset.done $0x0  }
0x37: {  	[sflag:s11] =	ssyncadd.s32 $0xFFFFD000  }
0x38: {  	[hbm4b:s12+s2] =	stream.linear.scatter [tilespmem:s7], [sflag:$0x2], $0x3000, $0x38;
	[tilespmem:$0x9180] =	vst v63  }
0x39: {  	_ =	swait.ge [sflag:s3], $0x3000  }
0x3a: {  	[sflag:s3] =	ssyncset.done $0x0  }
0x3b: {  	[sflag:s3] =	ssyncadd.s32 $0xFFFFD000  }
0x3c: {  	[hbm4b:s13+s2] =	stream.linear.scatter [tilespmem:s8], [sflag:$0x2], $0x3000, $0x38;
	[tilespmem:$0x9180] =	vst v63  }
0x3d: {  	_ =	swait.ge [sflag:s3], $0x3000  }
.Ltmp1:
0x3e: {  	[sflag:s3] =	ssyncset.done $0x0;
	(pc) =	sbr.rel @p0 .LBB2_1-.Ltmp1, $4  }
0x3f: {  	[sflag:s3] =	ssyncadd.s32 $0xFFFFD000  }
0x40: {  	[hbm4b:s14+s2] =	stream.linear.scatter [tilespmem:s10], [sflag:$0x2], $0x3000, $0x38;
	[tilespmem:$0x9180] =	vst v63  }
0x41: {  	_ =	swait.ge [sflag:s3], $0x3000  }
0x42: {  	[sflag:s3] =	ssyncset.done $0x0  }
.LBB2_2:
0x43: {  	[sflag:s3] =	ssyncadd.s32 $0xFFFFD000  }
0x44: {  	_ =	sfence.sel $0x180000  }
0x45: {  	[bflag:$0x0] =	sbarrier.arrive $0xFFFF  }
0x46: {  	p0 =	sne.s32 s0, $0x0;
	_ =	strace $0x90000047  }
0x47: {  	s0 =	sadd.s32 @!p0 $0x100000, s1;
	[bflag:$0x2] =	sbarrier.arrive $0xFFFF  }
0x48: {  	[sflag:s0] =	ssyncadd.tile.s32 @!p0 $0x1;
	_ =	shalt  }
.Lfunc_end2:
_tile_overlayer_lowered:
.L_overlay_start_2:
0x49: {  	(tag) =	ssettag $0x2  }
0x4a: {  	s0 =	rddreg [dreg:$0x0];
	s2 =	stileid.u32  }
0x4b: {  	s1 =	rddreg [dreg:$0x1];
	p0 =	sne.s32 s2, $0x0  }
0x4c: {  	s3 =	rddreg [dreg:$0x2];
	[bflag:$0x3] =	sbarrier.arrive $0xFFFF;
	s2 =	simm.s32 @!p0 $0x1C02  }
0x4d: {  	[timem:s3], [sflag:s2] =	dma.local @!p0 [hbm:s0], s1  }
0x4e: {  	s0 =	simm.s32 @!p0 $0x2  }
0x4f: {  	_ =	swait.ge @!p0 [sflag:s0], s1  }
0x50: {  	s1 =	ssub.s32 @!p0 $0x0, s1;
	[sflag:s0] =	ssyncset.done @!p0 $0x0  }
0x51: {  	[sflag:s0] =	ssyncadd.s32 @!p0 s1  }
0x52: {  	[bflag:$0x3] =	sbarrier.arrive $0xFFFF  }
0x53: {  	_ =	shalt  }

</sc_bundles>
